<compile_context>
chip_gen: v7x
topology: tpu7x:2x2x1
jax: 0.10.2.dev20260603
libtpu: 0.0.44.dev20260713+nightly
codegen_flags: <defaults>
</compile_context>

<pallas_src>
import functools

import jax
import jax.numpy as jnp
from jax import lax
from jax.experimental import pallas as pl
from jax.experimental.pallas import tpu as pltpu
from jax.experimental.pallas import tpu_sc as plsc

N_NODES = 10000
N_EDGES = 320000
D_FEAT = 128
D_EDGE = 16
H = 128
N_GRAPHS = 16
BN_EPS = 1e-5

NC = 2
NS = 16
NW = NC * NS
EPW = N_EDGES // NW
CH = 80
NCH = EPW // CH
GCH = 25
NG = NCH // GCH

ROWS_A = 624
ROWS_LAST = N_NODES - 15 * ROWS_A


def _sc_edge_body(x_hbm, ee_hbm, src_hbm, dst_hbm, zeros_hbm, agg_hbm,
                  srcv, dstv, xs_v, ee_v, agg_sh, sem):
  c = lax.axis_index("c")
  s = lax.axis_index("s")
  wid = s * NC + c

  @pl.when(s < NS - 1)
  def _():
    pltpu.sync_copy(zeros_hbm.at[pl.ds(s * ROWS_A, ROWS_A)],
                    agg_sh.at[pl.ds(s * ROWS_A, ROWS_A)])

  @pl.when(s == NS - 1)
  def _():
    pltpu.sync_copy(zeros_hbm.at[pl.ds(15 * ROWS_A, ROWS_LAST)],
                    agg_sh.at[pl.ds(15 * ROWS_A, ROWS_LAST)])

  plsc.subcore_barrier()

  def group(g, carry):
    pltpu.sync_copy(src_hbm.at[wid, g], srcv)
    pltpu.sync_copy(dst_hbm.at[wid, g], dstv)

    def chunk(k, carry1):
      base = wid * EPW + (g * GCH + k) * CH
      gather = pltpu.async_copy(x_hbm.at[srcv.at[k]], xs_v, sem)
      pltpu.sync_copy(ee_hbm.at[pl.ds(base, CH)], ee_v)
      gather.wait()

      def edge(e, carry2):
        for j in range(D_FEAT // 16):
          sl = pl.ds(j * 16, 16)
          ee_v[e, sl] = jnp.maximum(ee_v[e, sl] + xs_v[e, sl], 0.0)
        return carry2

      lax.fori_loop(0, CH, edge, 0)
      pltpu.sync_copy(ee_v, agg_sh.at[dstv.at[k]], add=True)
      return carry1

    lax.fori_loop(0, GCH, chunk, 0)
    return carry

  lax.fori_loop(0, NG, group, 0)
  plsc.subcore_barrier()

  @pl.when(s < NS - 1)
  def _():
    pltpu.sync_copy(agg_sh.at[pl.ds(s * ROWS_A, ROWS_A)],
                    agg_hbm.at[c, pl.ds(s * ROWS_A, ROWS_A)])

  @pl.when(s == NS - 1)
  def _():
    pltpu.sync_copy(agg_sh.at[pl.ds(15 * ROWS_A, ROWS_LAST)],
                    agg_hbm.at[c, pl.ds(15 * ROWS_A, ROWS_LAST)])


_sc_edge = pl.kernel(
    _sc_edge_body,
    out_type=jax.ShapeDtypeStruct((NC, N_NODES, D_FEAT), jnp.float32),
    mesh=plsc.VectorSubcoreMesh(core_axis_name="c", subcore_axis_name="s"),
    scratch_types=[
        pltpu.VMEM((GCH, CH), jnp.int32),
        pltpu.VMEM((GCH, CH), jnp.int32),
        pltpu.VMEM((CH, D_FEAT), jnp.float32),
        pltpu.VMEM((CH, D_FEAT), jnp.float32),
        pltpu.VMEM_SHARED((N_NODES, D_FEAT), jnp.float32),
        pltpu.SemaphoreType.DMA,
    ],
)


def _ee_block(ea_ref, we_ref, be_ref, out_ref):
  out_ref[...] = (
      jnp.dot(ea_ref[...], we_ref[...], preferred_element_type=jnp.float32)
      + be_ref[...])


_EE_B = 2000

_ee_call = pl.pallas_call(
    _ee_block,
    grid=(N_EDGES // _EE_B,),
    in_specs=[
        pl.BlockSpec((_EE_B, D_EDGE), lambda b: (b, 0)),
        pl.BlockSpec((D_EDGE, H), lambda b: (0, 0)),
        pl.BlockSpec((1, H), lambda b: (0, 0)),
    ],
    out_specs=pl.BlockSpec((_EE_B, H), lambda b: (b, 0)),
    out_shape=jax.ShapeDtypeStruct((N_EDGES, H), jnp.float32),
)


def _node_block(x_ref, agg_ref, w1, b1, g1, t1, w2, b2, g2, t2, bid_ref,
                ne_ref, pool_ref):
  h = x_ref[...] + agg_ref[0] + agg_ref[1]
  h = jnp.dot(h, w1[...], preferred_element_type=jnp.float32) + b1[...]
  m = jnp.mean(h, axis=0, keepdims=True)
  v = jnp.mean(jnp.square(h - m), axis=0, keepdims=True)
  h = (h - m) / jnp.sqrt(v + BN_EPS) * g1[...] + t1[...]
  h = jnp.maximum(h, 0.0)
  h = jnp.dot(h, w2[...], preferred_element_type=jnp.float32) + b2[...]
  m = jnp.mean(h, axis=0, keepdims=True)
  v = jnp.mean(jnp.square(h - m), axis=0, keepdims=True)
  h = (h - m) / jnp.sqrt(v + BN_EPS) * g2[...] + t2[...]
  h = jnp.maximum(h, 0.0)
  ne_ref[...] = h
  onehot_t = (bid_ref[...] ==
              lax.broadcasted_iota(jnp.int32, (N_GRAPHS, N_NODES), 0)
              ).astype(jnp.float32)
  pool_ref[...] = jnp.dot(onehot_t, h, preferred_element_type=jnp.float32)


_node_call = pl.pallas_call(
    _node_block,
    out_shape=(
        jax.ShapeDtypeStruct((N_NODES, H), jnp.float32),
        jax.ShapeDtypeStruct((N_GRAPHS, H), jnp.float32),
    ),
)


def kernel(x, edge_index, seq_batch_node_id, edge_attr, params):
  src = edge_index[0].astype(jnp.int32).reshape(NW, NG, GCH, CH)
  dst = edge_index[1].astype(jnp.int32).reshape(NW, NG, GCH, CH)
  zeros = jnp.zeros((N_NODES, D_FEAT), jnp.float32)
  bid = seq_batch_node_id.astype(jnp.int32).reshape(1, N_NODES)

  pools = []
  h = x
  for i in range(len(params)):
    p = params[i]
    ee = _ee_call(edge_attr, p['We'], p['be'].reshape(1, H))
    agg = _sc_edge(h, ee, src, dst, zeros)
    h, pool = _node_call(
        h, agg,
        p['W1'], p['b1'].reshape(1, H), p['g1'].reshape(1, H),
        p['bt1'].reshape(1, H),
        p['W2'], p['b2'].reshape(1, H), p['g2'].reshape(1, H),
        p['bt2'].reshape(1, H),
        bid)
    pools.append(pool)
  return jnp.concatenate(pools, axis=1)

# --- scband reference (transcript-rebuilt; emitter-appended) ---
"""Pipeline reference for scband-gine-encoder-11605001633946 (READ-ONLY COPY).

The authoritative reference and input builder live on the scoring server;
editing this copy changes nothing except your own understanding.
"""

import jax, jax.numpy as jnp
import numpy as np

N_NODES = 10000
N_EDGES = 320000
D_FEAT = 128
D_EDGE = 16
H = 128
L = 3
N_GRAPHS = 16
BN_EPS = 1e-5


def _init_params(key):
    params = []
    for i in range(L):
        in_ch = D_FEAT if i == 0 else H
        ks = jax.random.split(jax.random.fold_in(key, i), 3)
        p = {
            'We': jax.random.normal(ks[0], (D_EDGE, in_ch), jnp.float32) * (1.0 / np.sqrt(D_EDGE)),
            'be': jnp.zeros((in_ch,), jnp.float32),
            'W1': jax.random.normal(ks[1], (in_ch, H), jnp.float32) * (1.0 / np.sqrt(in_ch)),
            'b1': jnp.zeros((H,), jnp.float32),
            'g1': jnp.ones((H,), jnp.float32),
            'bt1': jnp.zeros((H,), jnp.float32),
            'W2': jax.random.normal(ks[2], (H, H), jnp.float32) * (1.0 / np.sqrt(H)),
            'b2': jnp.zeros((H,), jnp.float32),
            'g2': jnp.ones((H,), jnp.float32),
            'bt2': jnp.zeros((H,), jnp.float32),
        }
        params.append(p)
    return params


def setup_inputs(seed: int = 0):
    key = jax.random.key(seed)
    k1, k2, k3, k4, k5 = jax.random.split(key, 5)
    x = jax.random.normal(k1, (N_NODES, D_FEAT), jnp.float32)
    edge_index = jax.random.randint(k2, (2, N_EDGES), 0, N_NODES)
    seq_batch_node_id = jnp.sort(jax.random.randint(k3, (N_NODES,), 0, N_GRAPHS))
    edge_attr = jax.random.normal(k4, (N_EDGES, D_EDGE), jnp.float32)
    params = _init_params(k5)
    return {'x': x, 'edge_index': edge_index, 'seq_batch_node_id': seq_batch_node_id, 'edge_attr': edge_attr, 'params': params}


def _batchnorm(h, gamma, beta):
    mean = jnp.mean(h, axis=0)
    var = jnp.var(h, axis=0)
    return (h - mean) / jnp.sqrt(var + BN_EPS) * gamma + beta


def _gine_conv(x, edge_index, edge_attr, p):
    src = edge_index[0]
    dst = edge_index[1]
    edge_emb = edge_attr @ p['We'] + p['be']
    msg = jax.nn.relu(x[src] + edge_emb)
    agg = jax.ops.segment_sum(msg, dst, num_segments=x.shape[0])
    h = x + agg  # (1 + eps) * x + agg with eps = 0
    h = h @ p['W1'] + p['b1']
    h = jax.nn.relu(_batchnorm(h, p['g1'], p['bt1']))
    h = h @ p['W2'] + p['b2']
    h = jax.nn.relu(_batchnorm(h, p['g2'], p['bt2']))
    return h


def reference(x, edge_index, seq_batch_node_id, edge_attr, params):
    nodes_emb_layers = []
    nodes_emb = x
    for i in range(L):
        nodes_emb = _gine_conv(nodes_emb, edge_index, edge_attr, params[i])
        nodes_emb_layers.append(nodes_emb)
    pools = [jax.ops.segment_sum(ne, seq_batch_node_id, num_segments=N_GRAPHS) for ne in nodes_emb_layers]
    graph_embeds = jnp.concatenate(pools, axis=1)
    return graph_embeds

if __name__ == "__main__":
    import jax
    _d = setup_inputs()
    print(jax.jit(kernel)(*tuple(_d.values())))

</pallas_src>

<mosaic_0001>
#map = affine_map<(d0, d1) -> (0, 0)>
#map1 = affine_map<(d0, d1) -> (0, 0, 0, 0)>
#map2 = affine_map<(d0, d1) -> (0, 0, 0)>
module attributes {stable_mosaic.version = 14 : i64} {
  func.func @_sc_edge_body(%arg0: i32, %arg1: i32, %arg2: memref<10000x128xf32, #tpu.memory_space<hbm>>, %arg3: memref<320000x128xf32, #tpu.memory_space<hbm>>, %arg4: memref<32x5x25x80xi32, #tpu.memory_space<hbm>>, %arg5: memref<32x5x25x80xi32, #tpu.memory_space<hbm>>, %arg6: memref<10000x128xf32, #tpu.memory_space<hbm>>, %arg7: memref<2x10000x128xf32, #tpu.memory_space<hbm>>, %arg8: memref<25x80xi32, #tpu.memory_space<vmem>>, %arg9: memref<25x80xi32, #tpu.memory_space<vmem>>, %arg10: memref<80x128xf32, #tpu.memory_space<vmem>>, %arg11: memref<80x128xf32, #tpu.memory_space<vmem>>, %arg12: memref<10000x128xf32, #tpu.memory_space<vmem_shared>>, %arg13: memref<!tpu.dma_semaphore, #tpu.memory_space<semaphore_mem>>) attributes {dimension_semantics = [#tpu.dimension_semantics<core_parallel>, #tpu.dimension_semantics<subcore_parallel>], iteration_bounds = array<i64: 2, 16>, scalar_prefetch = 0 : i64, scratch_operands = 6 : i64, tpu.core_type = #tpu.core_type<sc_vector_subcore>, window_params = [{transform_indices = #map}, {transform_indices = #map}, {transform_indices = #map1}, {transform_indices = #map1}, {transform_indices = #map}, {transform_indices = #map2}]} {
    %mul3A = arith.constant 2 : i32
    %mul3A_0 = arith.muli %arg1, %mul3A : i32
    %add3A = arith.addi %mul3A_0, %arg0 : i32
    %lt3A = arith.constant 15 : i32
    %lt3A_1 = arith.cmpi slt, %arg1, %lt3A : i32
    %convert_element_type3A = arith.extui %lt3A_1 : i1 to i32
    %cond3A = arith.constant 0 : i32
    %cond3A_2 = arith.cmpi ne, %convert_element_type3A, %cond3A : i32
    scf.if %cond3A_2 {
      %mul3A_23 = arith.constant 624 : i32
      %mul3A_24 = arith.muli %arg1, %mul3A_23 : i32
      %mul3A_25 = arith.constant 624 : i32
      %mul3A_26 = arith.muli %arg1, %mul3A_25 : i32
      "tpu.region"() ({
        %run_scoped3A = tpu.sem_alloc : memref<!tpu.dma_semaphore, #tpu.memory_space<semaphore_mem>>
        %dma_start3A = arith.constant 0 : i32
        %dma_start3A_27 = tpu.memref_slice %arg12[%mul3A_26, %dma_start3A] : memref<10000x128xf32, #tpu.memory_space<vmem_shared>> -> memref<624x128xf32, #tpu.memory_space<vmem_shared>>
        %dma_start3A_28 = arith.constant 0 : i32
        %dma_start3A_29 = tpu.memref_slice %arg6[%mul3A_24, %dma_start3A_28] : memref<10000x128xf32, #tpu.memory_space<hbm>> -> memref<624x128xf32, #tpu.memory_space<hbm>>
        tpu.enqueue_dma source(%dma_start3A_29 : memref<624x128xf32, #tpu.memory_space<hbm>>) target(%dma_start3A_27 : memref<624x128xf32, #tpu.memory_space<vmem_shared>>) target_semaphore(%run_scoped3A : memref<!tpu.dma_semaphore, #tpu.memory_space<semaphore_mem>>)
        %dma_wait3A = arith.constant 0 : i32
        %dma_wait3A_30 = tpu.memref_slice %arg12[%mul3A_26, %dma_wait3A] : memref<10000x128xf32, #tpu.memory_space<vmem_shared>> -> memref<624x128xf32, #tpu.memory_space<vmem_shared>>
        %dma_wait3A_31 = arith.constant 0 : i32
        %dma_wait3A_32 = tpu.memref_slice %arg6[%mul3A_24, %dma_wait3A_31] : memref<10000x128xf32, #tpu.memory_space<hbm>> -> memref<624x128xf32, #tpu.memory_space<hbm>>
        tpu.wait_dma2 semaphore(%run_scoped3A : memref<!tpu.dma_semaphore, #tpu.memory_space<semaphore_mem>>) src(%dma_wait3A_32 : memref<624x128xf32, #tpu.memory_space<hbm>>) dst(%dma_wait3A_30 : memref<624x128xf32, #tpu.memory_space<vmem_shared>>)
        tpu.yield
      }) : () -> ()
    } else {
    }
    %eq3A = arith.constant 15 : i32
    %eq3A_3 = arith.cmpi eq, %arg1, %eq3A : i32
    %convert_element_type3A_4 = arith.extui %eq3A_3 : i1 to i32
    %cond3A_5 = arith.constant 0 : i32
    %cond3A_6 = arith.cmpi ne, %convert_element_type3A_4, %cond3A_5 : i32
    scf.if %cond3A_6 {
      "tpu.region"() ({
        %run_scoped3A = tpu.sem_alloc : memref<!tpu.dma_semaphore, #tpu.memory_space<semaphore_mem>>
        %dma_start3A = arith.constant 9360 : i32
        %dma_start3A_23 = arith.constant 0 : i32
        %dma_start3A_24 = tpu.memref_slice %arg12[%dma_start3A, %dma_start3A_23] : memref<10000x128xf32, #tpu.memory_space<vmem_shared>> -> memref<640x128xf32, #tpu.memory_space<vmem_shared>>
        %dma_start3A_25 = arith.constant 9360 : i32
        %dma_start3A_26 = arith.constant 0 : i32
        %dma_start3A_27 = tpu.memref_slice %arg6[%dma_start3A_25, %dma_start3A_26] : memref<10000x128xf32, #tpu.memory_space<hbm>> -> memref<640x128xf32, #tpu.memory_space<hbm>>
        tpu.enqueue_dma source(%dma_start3A_27 : memref<640x128xf32, #tpu.memory_space<hbm>>) target(%dma_start3A_24 : memref<640x128xf32, #tpu.memory_space<vmem_shared>>) target_semaphore(%run_scoped3A : memref<!tpu.dma_semaphore, #tpu.memory_space<semaphore_mem>>)
        %dma_wait3A = arith.constant 9360 : i32
        %dma_wait3A_28 = arith.constant 0 : i32
        %dma_wait3A_29 = tpu.memref_slice %arg12[%dma_wait3A, %dma_wait3A_28] : memref<10000x128xf32, #tpu.memory_space<vmem_shared>> -> memref<640x128xf32, #tpu.memory_space<vmem_shared>>
        %dma_wait3A_30 = arith.constant 9360 : i32
        %dma_wait3A_31 = arith.constant 0 : i32
        %dma_wait3A_32 = tpu.memref_slice %arg6[%dma_wait3A_30, %dma_wait3A_31] : memref<10000x128xf32, #tpu.memory_space<hbm>> -> memref<640x128xf32, #tpu.memory_space<hbm>>
        tpu.wait_dma2 semaphore(%run_scoped3A : memref<!tpu.dma_semaphore, #tpu.memory_space<semaphore_mem>>) src(%dma_wait3A_32 : memref<640x128xf32, #tpu.memory_space<hbm>>) dst(%dma_wait3A_29 : memref<640x128xf32, #tpu.memory_space<vmem_shared>>)
        tpu.yield
      }) : () -> ()
    } else {
    }
    %barrier3A = arith.constant 0 : index
    tpu.barrier barrier_id(%barrier3A)
    %scan3A = arith.constant 0 : i32
    %scan3A_7 = arith.constant 0 : i32
    %scan3A_8 = arith.constant 5 : i32
    %scan3A_9 = arith.addi %scan3A_7, %scan3A_8 : i32
    %scan3A_10 = arith.constant 1 : i32
    scf.for %scan3A_23 = %scan3A_7 to %scan3A_9 step %scan3A_10  : i32 {
      "tpu.region"() ({
        %run_scoped3A = tpu.sem_alloc : memref<!tpu.dma_semaphore, #tpu.memory_space<semaphore_mem>>
        %dma_start3A = arith.constant 0 : i32
        %dma_start3A_30 = arith.constant 0 : i32
        %dma_start3A_31 = tpu.memref_slice %arg4[%add3A, %scan3A_23, %dma_start3A, %dma_start3A_30] : memref<32x5x25x80xi32, #tpu.memory_space<hbm>> -> memref<1x1x25x80xi32, #tpu.memory_space<hbm>>
        %dma_start3A_32 = tpu.memref_squeeze %dma_start3A_31 : memref<1x1x25x80xi32, #tpu.memory_space<hbm>> -> memref<25x80xi32, #tpu.memory_space<hbm>>
        %dma_start3A_33 = arith.constant 0 : i32
        %dma_start3A_34 = arith.constant 0 : i32
        %dma_start3A_35 = tpu.memref_slice %arg4[%add3A, %scan3A_23, %dma_start3A_33, %dma_start3A_34] : memref<32x5x25x80xi32, #tpu.memory_space<hbm>> -> memref<1x1x25x80xi32, #tpu.memory_space<hbm>>
        %dma_start3A_36 = tpu.memref_squeeze %dma_start3A_35 : memref<1x1x25x80xi32, #tpu.memory_space<hbm>> -> memref<25x80xi32, #tpu.memory_space<hbm>>
        tpu.enqueue_dma source(%dma_start3A_36 : memref<25x80xi32, #tpu.memory_space<hbm>>) target(%arg8 : memref<25x80xi32, #tpu.memory_space<vmem>>) target_semaphore(%run_scoped3A : memref<!tpu.dma_semaphore, #tpu.memory_space<semaphore_mem>>)
        %dma_wait3A = arith.constant 0 : i32
        %dma_wait3A_37 = arith.constant 0 : i32
        %dma_wait3A_38 = tpu.memref_slice %arg4[%add3A, %scan3A_23, %dma_wait3A, %dma_wait3A_37] : memref<32x5x25x80xi32, #tpu.memory_space<hbm>> -> memref<1x1x25x80xi32, #tpu.memory_space<hbm>>
        %dma_wait3A_39 = tpu.memref_squeeze %dma_wait3A_38 : memref<1x1x25x80xi32, #tpu.memory_space<hbm>> -> memref<25x80xi32, #tpu.memory_space<hbm>>
        %dma_wait3A_40 = arith.constant 0 : i32
        %dma_wait3A_41 = arith.constant 0 : i32
        %dma_wait3A_42 = tpu.memref_slice %arg4[%add3A, %scan3A_23, %dma_wait3A_40, %dma_wait3A_41] : memref<32x5x25x80xi32, #tpu.memory_space<hbm>> -> memref<1x1x25x80xi32, #tpu.memory_space<hbm>>
        %dma_wait3A_43 = tpu.memref_squeeze %dma_wait3A_42 : memref<1x1x25x80xi32, #tpu.memory_space<hbm>> -> memref<25x80xi32, #tpu.memory_space<hbm>>
        tpu.wait_dma2 semaphore(%run_scoped3A : memref<!tpu.dma_semaphore, #tpu.memory_space<semaphore_mem>>) src(%dma_wait3A_43 : memref<25x80xi32, #tpu.memory_space<hbm>>) dst(%arg8 : memref<25x80xi32, #tpu.memory_space<vmem>>)
        tpu.yield
      }) : () -> ()
      "tpu.region"() ({
        %run_scoped3A = tpu.sem_alloc : memref<!tpu.dma_semaphore, #tpu.memory_space<semaphore_mem>>
        %dma_start3A = arith.constant 0 : i32
        %dma_start3A_30 = arith.constant 0 : i32
        %dma_start3A_31 = tpu.memref_slice %arg5[%add3A, %scan3A_23, %dma_start3A, %dma_start3A_30] : memref<32x5x25x80xi32, #tpu.memory_space<hbm>> -> memref<1x1x25x80xi32, #tpu.memory_space<hbm>>
        %dma_start3A_32 = tpu.memref_squeeze %dma_start3A_31 : memref<1x1x25x80xi32, #tpu.memory_space<hbm>> -> memref<25x80xi32, #tpu.memory_space<hbm>>
        %dma_start3A_33 = arith.constant 0 : i32
        %dma_start3A_34 = arith.constant 0 : i32
        %dma_start3A_35 = tpu.memref_slice %arg5[%add3A, %scan3A_23, %dma_start3A_33, %dma_start3A_34] : memref<32x5x25x80xi32, #tpu.memory_space<hbm>> -> memref<1x1x25x80xi32, #tpu.memory_space<hbm>>
        %dma_start3A_36 = tpu.memref_squeeze %dma_start3A_35 : memref<1x1x25x80xi32, #tpu.memory_space<hbm>> -> memref<25x80xi32, #tpu.memory_space<hbm>>
        tpu.enqueue_dma source(%dma_start3A_36 : memref<25x80xi32, #tpu.memory_space<hbm>>) target(%arg9 : memref<25x80xi32, #tpu.memory_space<vmem>>) target_semaphore(%run_scoped3A : memref<!tpu.dma_semaphore, #tpu.memory_space<semaphore_mem>>)
        %dma_wait3A = arith.constant 0 : i32
        %dma_wait3A_37 = arith.constant 0 : i32
        %dma_wait3A_38 = tpu.memref_slice %arg5[%add3A, %scan3A_23, %dma_wait3A, %dma_wait3A_37] : memref<32x5x25x80xi32, #tpu.memory_space<hbm>> -> memref<1x1x25x80xi32, #tpu.memory_space<hbm>>
        %dma_wait3A_39 = tpu.memref_squeeze %dma_wait3A_38 : memref<1x1x25x80xi32, #tpu.memory_space<hbm>> -> memref<25x80xi32, #tpu.memory_space<hbm>>
        %dma_wait3A_40 = arith.constant 0 : i32
        %dma_wait3A_41 = arith.constant 0 : i32
        %dma_wait3A_42 = tpu.memref_slice %arg5[%add3A, %scan3A_23, %dma_wait3A_40, %dma_wait3A_41] : memref<32x5x25x80xi32, #tpu.memory_space<hbm>> -> memref<1x1x25x80xi32, #tpu.memory_space<hbm>>
        %dma_wait3A_43 = tpu.memref_squeeze %dma_wait3A_42 : memref<1x1x25x80xi32, #tpu.memory_space<hbm>> -> memref<25x80xi32, #tpu.memory_space<hbm>>
        tpu.wait_dma2 semaphore(%run_scoped3A : memref<!tpu.dma_semaphore, #tpu.memory_space<semaphore_mem>>) src(%dma_wait3A_43 : memref<25x80xi32, #tpu.memory_space<hbm>>) dst(%arg9 : memref<25x80xi32, #tpu.memory_space<vmem>>)
        tpu.yield
      }) : () -> ()
      %scan3A_24 = arith.constant 0 : i32
      %scan3A_25 = arith.constant 0 : i32
      %scan3A_26 = arith.constant 25 : i32
      %scan3A_27 = arith.addi %scan3A_25, %scan3A_26 : i32
      %scan3A_28 = arith.constant 1 : i32
      scf.for %scan3A_30 = %scan3A_25 to %scan3A_27 step %scan3A_28  : i32 {
        %mul3A_31 = arith.constant 10000 : i32
        %mul3A_32 = arith.muli %add3A, %mul3A_31 : i32
        %mul3A_33 = arith.constant 25 : i32
        %mul3A_34 = arith.muli %scan3A_23, %mul3A_33 : i32
        %add3A_35 = arith.addi %mul3A_34, %scan3A_30 : i32
        %mul3A_36 = arith.constant 80 : i32
        %mul3A_37 = arith.muli %add3A_35, %mul3A_36 : i32
        %add3A_38 = arith.addi %mul3A_32, %mul3A_37 : i32
        %dma_start3A = arith.constant 0 : i32
        %dma_start3A_39 = tpu.memref_slice %arg8[%scan3A_30, %dma_start3A] : memref<25x80xi32, #tpu.memory_space<vmem>> -> memref<1x80xi32, #tpu.memory_space<vmem>>
        %dma_start3A_40 = tpu.memref_squeeze %dma_start3A_39 : memref<1x80xi32, #tpu.memory_space<vmem>> -> memref<80xi32, #tpu.memory_space<vmem>>
        %dma_start3A_41 = arith.constant 0 : i32
        %dma_start3A_42 = arith.constant 0 : i32
        %dma_start3A_43 = tpu.memref_slice %arg2[%dma_start3A_41, %dma_start3A_42] : memref<10000x128xf32, #tpu.memory_space<hbm>> -> memref<10000x128xf32, #tpu.memory_space<hbm>>
        tpu.enqueue_indirect_dma source(%dma_start3A_43 : memref<10000x128xf32, #tpu.memory_space<hbm>>) target(%arg10 : memref<80x128xf32, #tpu.memory_space<vmem>>) offsets(%dma_start3A_40 : memref<80xi32, #tpu.memory_space<vmem>>) semaphore(%arg13 : memref<!tpu.dma_semaphore, #tpu.memory_space<semaphore_mem>>)
        "tpu.region"() ({
          %run_scoped3A = tpu.sem_alloc : memref<!tpu.dma_semaphore, #tpu.memory_space<semaphore_mem>>
          %dma_start3A_55 = arith.constant 0 : i32
          %dma_start3A_56 = tpu.memref_slice %arg3[%add3A_38, %dma_start3A_55] : memref<320000x128xf32, #tpu.memory_space<hbm>> -> memref<80x128xf32, #tpu.memory_space<hbm>>
          %dma_start3A_57 = arith.constant 0 : i32
          %dma_start3A_58 = tpu.memref_slice %arg3[%add3A_38, %dma_start3A_57] : memref<320000x128xf32, #tpu.memory_space<hbm>> -> memref<80x128xf32, #tpu.memory_space<hbm>>
          tpu.enqueue_dma source(%dma_start3A_58 : memref<80x128xf32, #tpu.memory_space<hbm>>) target(%arg11 : memref<80x128xf32, #tpu.memory_space<vmem>>) target_semaphore(%run_scoped3A : memref<!tpu.dma_semaphore, #tpu.memory_space<semaphore_mem>>)
          %dma_wait3A_59 = arith.constant 0 : i32
          %dma_wait3A_60 = tpu.memref_slice %arg3[%add3A_38, %dma_wait3A_59] : memref<320000x128xf32, #tpu.memory_space<hbm>> -> memref<80x128xf32, #tpu.memory_space<hbm>>
          %dma_wait3A_61 = arith.constant 0 : i32
          %dma_wait3A_62 = tpu.memref_slice %arg3[%add3A_38, %dma_wait3A_61] : memref<320000x128xf32, #tpu.memory_space<hbm>> -> memref<80x128xf32, #tpu.memory_space<hbm>>
          tpu.wait_dma2 semaphore(%run_scoped3A : memref<!tpu.dma_semaphore, #tpu.memory_space<semaphore_mem>>) src(%dma_wait3A_62 : memref<80x128xf32, #tpu.memory_space<hbm>>) dst(%arg11 : memref<80x128xf32, #tpu.memory_space<vmem>>)
          tpu.yield
        }) : () -> ()
        %dma_wait3A = arith.constant 0 : i32
        %dma_wait3A_44 = tpu.memref_slice %arg8[%scan3A_30, %dma_wait3A] : memref<25x80xi32, #tpu.memory_space<vmem>> -> memref<1x80xi32, #tpu.memory_space<vmem>>
        %dma_wait3A_45 = tpu.memref_squeeze %dma_wait3A_44 : memref<1x80xi32, #tpu.memory_space<vmem>> -> memref<80xi32, #tpu.memory_space<vmem>>
        %dma_wait3A_46 = arith.constant 0 : i32
        %dma_wait3A_47 = arith.constant 0 : i32
        %dma_wait3A_48 = tpu.memref_slice %arg2[%dma_wait3A_46, %dma_wait3A_47] : memref<10000x128xf32, #tpu.memory_space<hbm>> -> memref<10000x128xf32, #tpu.memory_space<hbm>>
        tpu.wait_indirect_dma semaphore(%arg13 : memref<!tpu.dma_semaphore, #tpu.memory_space<semaphore_mem>>) src(%dma_wait3A_48 : memref<10000x128xf32, #tpu.memory_space<hbm>>) dst(%arg10 : memref<80x128xf32, #tpu.memory_space<vmem>>)
        %scan3A_49 = arith.constant 0 : i32
        %scan3A_50 = arith.constant 0 : i32
        %scan3A_51 = arith.constant 80 : i32
        %scan3A_52 = arith.addi %scan3A_50, %scan3A_51 : i32
        %scan3A_53 = arith.constant 1 : i32
        scf.for %scan3A_55 = %scan3A_50 to %scan3A_52 step %scan3A_53  : i32 {
          %get3A = arith.index_cast %scan3A_55 : i32 to index
          %get3A_56 = arith.constant 0 : index
          %get3A_57 = tpu.vector_load %arg11[%get3A, %get3A_56] {strides = array<i32>} : memref<80x128xf32, #tpu.memory_space<vmem>>, vector<1x16xf32>,
          %get3A_58 = vector.shape_cast %get3A_57 : vector<1x16xf32> to vector<16xf32>
          %get3A_59 = arith.index_cast %scan3A_55 : i32 to index
          %get3A_60 = arith.constant 0 : index
          %get3A_61 = tpu.vector_load %arg10[%get3A_59, %get3A_60] {strides = array<i32>} : memref<80x128xf32, #tpu.memory_space<vmem>>, vector<1x16xf32>,
          %get3A_62 = vector.shape_cast %get3A_61 : vector<1x16xf32> to vector<16xf32>
          %add3A_63 = arith.addf %get3A_58, %get3A_62 : vector<16xf32>
          %max3A = arith.constant 0.000000e+00 : f32
          %max3A_64 = vector.broadcast %max3A : f32 to vector<16xf32>
          %max3A_65 = arith.maximumf %add3A_63, %max3A_64 : vector<16xf32>
          %swap3A = arith.index_cast %scan3A_55 : i32 to index
          %swap3A_66 = arith.constant 0 : index
          %swap3A_67 = tpu.vector_load %arg11[%swap3A, %swap3A_66] {strides = array<i32>} : memref<80x128xf32, #tpu.memory_space<vmem>>, vector<1x16xf32>,
          %swap3A_68 = vector.shape_cast %swap3A_67 : vector<1x16xf32> to vector<16xf32>
          %swap3A_69 = vector.shape_cast %max3A_65 : vector<16xf32> to vector<1x16xf32>
          tpu.vector_store %arg11[%swap3A, %swap3A_66], %swap3A_69 {strides = array<i32>} : memref<80x128xf32, #tpu.memory_space<vmem>>, vector<1x16xf32>,
          %get3A_70 = arith.index_cast %scan3A_55 : i32 to index
          %get3A_71 = arith.constant 16 : index
          %get3A_72 = tpu.vector_load %arg11[%get3A_70, %get3A_71] {strides = array<i32>} : memref<80x128xf32, #tpu.memory_space<vmem>>, vector<1x16xf32>,
          %get3A_73 = vector.shape_cast %get3A_72 : vector<1x16xf32> to vector<16xf32>
          %get3A_74 = arith.index_cast %scan3A_55 : i32 to index
          %get3A_75 = arith.constant 16 : index
          %get3A_76 = tpu.vector_load %arg10[%get3A_74, %get3A_75] {strides = array<i32>} : memref<80x128xf32, #tpu.memory_space<vmem>>, vector<1x16xf32>,
          %get3A_77 = vector.shape_cast %get3A_76 : vector<1x16xf32> to vector<16xf32>
          %add3A_78 = arith.addf %get3A_73, %get3A_77 : vector<16xf32>
          %max3A_79 = arith.constant 0.000000e+00 : f32
          %max3A_80 = vector.broadcast %max3A_79 : f32 to vector<16xf32>
          %max3A_81 = arith.maximumf %add3A_78, %max3A_80 : vector<16xf32>
          %swap3A_82 = arith.index_cast %scan3A_55 : i32 to index
          %swap3A_83 = arith.constant 16 : index
          %swap3A_84 = tpu.vector_load %arg11[%swap3A_82, %swap3A_83] {strides = array<i32>} : memref<80x128xf32, #tpu.memory_space<vmem>>, vector<1x16xf32>,
          %swap3A_85 = vector.shape_cast %swap3A_84 : vector<1x16xf32> to vector<16xf32>
          %swap3A_86 = vector.shape_cast %max3A_81 : vector<16xf32> to vector<1x16xf32>
          tpu.vector_store %arg11[%swap3A_82, %swap3A_83], %swap3A_86 {strides = array<i32>} : memref<80x128xf32, #tpu.memory_space<vmem>>, vector<1x16xf32>,
          %get3A_87 = arith.index_cast %scan3A_55 : i32 to index
          %get3A_88 = arith.constant 32 : index
          %get3A_89 = tpu.vector_load %arg11[%get3A_87, %get3A_88] {strides = array<i32>} : memref<80x128xf32, #tpu.memory_space<vmem>>, vector<1x16xf32>,
          %get3A_90 = vector.shape_cast %get3A_89 : vector<1x16xf32> to vector<16xf32>
          %get3A_91 = arith.index_cast %scan3A_55 : i32 to index
          %get3A_92 = arith.constant 32 : index
          %get3A_93 = tpu.vector_load %arg10[%get3A_91, %get3A_92] {strides = array<i32>} : memref<80x128xf32, #tpu.memory_space<vmem>>, vector<1x16xf32>,
          %get3A_94 = vector.shape_cast %get3A_93 : vector<1x16xf32> to vector<16xf32>
          %add3A_95 = arith.addf %get3A_90, %get3A_94 : vector<16xf32>
          %max3A_96 = arith.constant 0.000000e+00 : f32
          %max3A_97 = vector.broadcast %max3A_96 : f32 to vector<16xf32>
          %max3A_98 = arith.maximumf %add3A_95, %max3A_97 : vector<16xf32>
          %swap3A_99 = arith.index_cast %scan3A_55 : i32 to index
          %swap3A_100 = arith.constant 32 : index
          %swap3A_101 = tpu.vector_load %arg11[%swap3A_99, %swap3A_100] {strides = array<i32>} : memref<80x128xf32, #tpu.memory_space<vmem>>, vector<1x16xf32>,
          %swap3A_102 = vector.shape_cast %swap3A_101 : vector<1x16xf32> to vector<16xf32>
          %swap3A_103 = vector.shape_cast %max3A_98 : vector<16xf32> to vector<1x16xf32>
          tpu.vector_store %arg11[%swap3A_99, %swap3A_100], %swap3A_103 {strides = array<i32>} : memref<80x128xf32, #tpu.memory_space<vmem>>, vector<1x16xf32>,
          %get3A_104 = arith.index_cast %scan3A_55 : i32 to index
          %get3A_105 = arith.constant 48 : index
          %get3A_106 = tpu.vector_load %arg11[%get3A_104, %get3A_105] {strides = array<i32>} : memref<80x128xf32, #tpu.memory_space<vmem>>, vector<1x16xf32>,
          %get3A_107 = vector.shape_cast %get3A_106 : vector<1x16xf32> to vector<16xf32>
          %get3A_108 = arith.index_cast %scan3A_55 : i32 to index
          %get3A_109 = arith.constant 48 : index
          %get3A_110 = tpu.vector_load %arg10[%get3A_108, %get3A_109] {strides = array<i32>} : memref<80x128xf32, #tpu.memory_space<vmem>>, vector<1x16xf32>,
          %get3A_111 = vector.shape_cast %get3A_110 : vector<1x16xf32> to vector<16xf32>
          %add3A_112 = arith.addf %get3A_107, %get3A_111 : vector<16xf32>
          %max3A_113 = arith.constant 0.000000e+00 : f32
          %max3A_114 = vector.broadcast %max3A_113 : f32 to vector<16xf32>
          %max3A_115 = arith.maximumf %add3A_112, %max3A_114 : vector<16xf32>
          %swap3A_116 = arith.index_cast %scan3A_55 : i32 to index
          %swap3A_117 = arith.constant 48 : index
          %swap3A_118 = tpu.vector_load %arg11[%swap3A_116, %swap3A_117] {strides = array<i32>} : memref<80x128xf32, #tpu.memory_space<vmem>>, vector<1x16xf32>,
          %swap3A_119 = vector.shape_cast %swap3A_118 : vector<1x16xf32> to vector<16xf32>
          %swap3A_120 = vector.shape_cast %max3A_115 : vector<16xf32> to vector<1x16xf32>
          tpu.vector_store %arg11[%swap3A_116, %swap3A_117], %swap3A_120 {strides = array<i32>} : memref<80x128xf32, #tpu.memory_space<vmem>>, vector<1x16xf32>,
          %get3A_121 = arith.index_cast %scan3A_55 : i32 to index
          %get3A_122 = arith.constant 64 : index
          %get3A_123 = tpu.vector_load %arg11[%get3A_121, %get3A_122] {strides = array<i32>} : memref<80x128xf32, #tpu.memory_space<vmem>>, vector<1x16xf32>,
          %get3A_124 = vector.shape_cast %get3A_123 : vector<1x16xf32> to vector<16xf32>
          %get3A_125 = arith.index_cast %scan3A_55 : i32 to index
          %get3A_126 = arith.constant 64 : index
          %get3A_127 = tpu.vector_load %arg10[%get3A_125, %get3A_126] {strides = array<i32>} : memref<80x128xf32, #tpu.memory_space<vmem>>, vector<1x16xf32>,
          %get3A_128 = vector.shape_cast %get3A_127 : vector<1x16xf32> to vector<16xf32>
          %add3A_129 = arith.addf %get3A_124, %get3A_128 : vector<16xf32>
          %max3A_130 = arith.constant 0.000000e+00 : f32
          %max3A_131 = vector.broadcast %max3A_130 : f32 to vector<16xf32>
          %max3A_132 = arith.maximumf %add3A_129, %max3A_131 : vector<16xf32>
          %swap3A_133 = arith.index_cast %scan3A_55 : i32 to index
          %swap3A_134 = arith.constant 64 : index
          %swap3A_135 = tpu.vector_load %arg11[%swap3A_133, %swap3A_134] {strides = array<i32>} : memref<80x128xf32, #tpu.memory_space<vmem>>, vector<1x16xf32>,
          %swap3A_136 = vector.shape_cast %swap3A_135 : vector<1x16xf32> to vector<16xf32>
          %swap3A_137 = vector.shape_cast %max3A_132 : vector<16xf32> to vector<1x16xf32>
          tpu.vector_store %arg11[%swap3A_133, %swap3A_134], %swap3A_137 {strides = array<i32>} : memref<80x128xf32, #tpu.memory_space<vmem>>, vector<1x16xf32>,
          %get3A_138 = arith.index_cast %scan3A_55 : i32 to index
          %get3A_139 = arith.constant 80 : index
          %get3A_140 = tpu.vector_load %arg11[%get3A_138, %get3A_139] {strides = array<i32>} : memref<80x128xf32, #tpu.memory_space<vmem>>, vector<1x16xf32>,
          %get3A_141 = vector.shape_cast %get3A_140 : vector<1x16xf32> to vector<16xf32>
          %get3A_142 = arith.index_cast %scan3A_55 : i32 to index
          %get3A_143 = arith.constant 80 : index
          %get3A_144 = tpu.vector_load %arg10[%get3A_142, %get3A_143] {strides = array<i32>} : memref<80x128xf32, #tpu.memory_space<vmem>>, vector<1x16xf32>,
          %get3A_145 = vector.shape_cast %get3A_144 : vector<1x16xf32> to vector<16xf32>
          %add3A_146 = arith.addf %get3A_141, %get3A_145 : vector<16xf32>
          %max3A_147 = arith.constant 0.000000e+00 : f32
          %max3A_148 = vector.broadcast %max3A_147 : f32 to vector<16xf32>
          %max3A_149 = arith.maximumf %add3A_146, %max3A_148 : vector<16xf32>
          %swap3A_150 = arith.index_cast %scan3A_55 : i32 to index
          %swap3A_151 = arith.constant 80 : index
          %swap3A_152 = tpu.vector_load %arg11[%swap3A_150, %swap3A_151] {strides = array<i32>} : memref<80x128xf32, #tpu.memory_space<vmem>>, vector<1x16xf32>,
          %swap3A_153 = vector.shape_cast %swap3A_152 : vector<1x16xf32> to vector<16xf32>
          %swap3A_154 = vector.shape_cast %max3A_149 : vector<16xf32> to vector<1x16xf32>
          tpu.vector_store %arg11[%swap3A_150, %swap3A_151], %swap3A_154 {strides = array<i32>} : memref<80x128xf32, #tpu.memory_space<vmem>>, vector<1x16xf32>,
          %get3A_155 = arith.index_cast %scan3A_55 : i32 to index
          %get3A_156 = arith.constant 96 : index
          %get3A_157 = tpu.vector_load %arg11[%get3A_155, %get3A_156] {strides = array<i32>} : memref<80x128xf32, #tpu.memory_space<vmem>>, vector<1x16xf32>,
          %get3A_158 = vector.shape_cast %get3A_157 : vector<1x16xf32> to vector<16xf32>
          %get3A_159 = arith.index_cast %scan3A_55 : i32 to index
          %get3A_160 = arith.constant 96 : index
          %get3A_161 = tpu.vector_load %arg10[%get3A_159, %get3A_160] {strides = array<i32>} : memref<80x128xf32, #tpu.memory_space<vmem>>, vector<1x16xf32>,
          %get3A_162 = vector.shape_cast %get3A_161 : vector<1x16xf32> to vector<16xf32>
          %add3A_163 = arith.addf %get3A_158, %get3A_162 : vector<16xf32>
          %max3A_164 = arith.constant 0.000000e+00 : f32
          %max3A_165 = vector.broadcast %max3A_164 : f32 to vector<16xf32>
          %max3A_166 = arith.maximumf %add3A_163, %max3A_165 : vector<16xf32>
          %swap3A_167 = arith.index_cast %scan3A_55 : i32 to index
          %swap3A_168 = arith.constant 96 : index
          %swap3A_169 = tpu.vector_load %arg11[%swap3A_167, %swap3A_168] {strides = array<i32>} : memref<80x128xf32, #tpu.memory_space<vmem>>, vector<1x16xf32>,
          %swap3A_170 = vector.shape_cast %swap3A_169 : vector<1x16xf32> to vector<16xf32>
          %swap3A_171 = vector.shape_cast %max3A_166 : vector<16xf32> to vector<1x16xf32>
          tpu.vector_store %arg11[%swap3A_167, %swap3A_168], %swap3A_171 {strides = array<i32>} : memref<80x128xf32, #tpu.memory_space<vmem>>, vector<1x16xf32>,
          %get3A_172 = arith.index_cast %scan3A_55 : i32 to index
          %get3A_173 = arith.constant 112 : index
          %get3A_174 = tpu.vector_load %arg11[%get3A_172, %get3A_173] {strides = array<i32>} : memref<80x128xf32, #tpu.memory_space<vmem>>, vector<1x16xf32>,
          %get3A_175 = vector.shape_cast %get3A_174 : vector<1x16xf32> to vector<16xf32>
          %get3A_176 = arith.index_cast %scan3A_55 : i32 to index
          %get3A_177 = arith.constant 112 : index
          %get3A_178 = tpu.vector_load %arg10[%get3A_176, %get3A_177] {strides = array<i32>} : memref<80x128xf32, #tpu.memory_space<vmem>>, vector<1x16xf32>,
          %get3A_179 = vector.shape_cast %get3A_178 : vector<1x16xf32> to vector<16xf32>
          %add3A_180 = arith.addf %get3A_175, %get3A_179 : vector<16xf32>
          %max3A_181 = arith.constant 0.000000e+00 : f32
          %max3A_182 = vector.broadcast %max3A_181 : f32 to vector<16xf32>
          %max3A_183 = arith.maximumf %add3A_180, %max3A_182 : vector<16xf32>
          %swap3A_184 = arith.index_cast %scan3A_55 : i32 to index
          %swap3A_185 = arith.constant 112 : index
          %swap3A_186 = tpu.vector_load %arg11[%swap3A_184, %swap3A_185] {strides = array<i32>} : memref<80x128xf32, #tpu.memory_space<vmem>>, vector<1x16xf32>,
          %swap3A_187 = vector.shape_cast %swap3A_186 : vector<1x16xf32> to vector<16xf32>
          %swap3A_188 = vector.shape_cast %max3A_183 : vector<16xf32> to vector<1x16xf32>
          tpu.vector_store %arg11[%swap3A_184, %swap3A_185], %swap3A_188 {strides = array<i32>} : memref<80x128xf32, #tpu.memory_space<vmem>>, vector<1x16xf32>,
        }
        %scan3A_54 = arith.constant 80 : i32
        "tpu.region"() ({
          %run_scoped3A = tpu.sem_alloc : memref<!tpu.dma_semaphore, #tpu.memory_space<semaphore_mem>>
          %dma_start3A_55 = arith.constant 0 : i32
          %dma_start3A_56 = tpu.memref_slice %arg9[%scan3A_30, %dma_start3A_55] : memref<25x80xi32, #tpu.memory_space<vmem>> -> memref<1x80xi32, #tpu.memory_space<vmem>>
          %dma_start3A_57 = tpu.memref_squeeze %dma_start3A_56 : memref<1x80xi32, #tpu.memory_space<vmem>> -> memref<80xi32, #tpu.memory_space<vmem>>
          %dma_start3A_58 = arith.constant 0 : i32
          %dma_start3A_59 = arith.constant 0 : i32
          %dma_start3A_60 = tpu.memref_slice %arg12[%dma_start3A_58, %dma_start3A_59] : memref<10000x128xf32, #tpu.memory_space<vmem_shared>> -> memref<10000x128xf32, #tpu.memory_space<vmem_shared>>
          tpu.enqueue_indirect_dma source(%arg11 : memref<80x128xf32, #tpu.memory_space<vmem>>) target(%dma_start3A_60 : memref<10000x128xf32, #tpu.memory_space<vmem_shared>>) offsets(%dma_start3A_57 : memref<80xi32, #tpu.memory_space<vmem>>) semaphore(%run_scoped3A : memref<!tpu.dma_semaphore, #tpu.memory_space<semaphore_mem>>) {add = true}
          %dma_wait3A_61 = arith.constant 0 : i32
          %dma_wait3A_62 = tpu.memref_slice %arg9[%scan3A_30, %dma_wait3A_61] : memref<25x80xi32, #tpu.memory_space<vmem>> -> memref<1x80xi32, #tpu.memory_space<vmem>>
          %dma_wait3A_63 = tpu.memref_squeeze %dma_wait3A_62 : memref<1x80xi32, #tpu.memory_space<vmem>> -> memref<80xi32, #tpu.memory_space<vmem>>
          %dma_wait3A_64 = arith.constant 0 : i32
          %dma_wait3A_65 = arith.constant 0 : i32
          %dma_wait3A_66 = tpu.memref_slice %arg12[%dma_wait3A_64, %dma_wait3A_65] : memref<10000x128xf32, #tpu.memory_space<vmem_shared>> -> memref<10000x128xf32, #tpu.memory_space<vmem_shared>>
          tpu.wait_indirect_dma semaphore(%run_scoped3A : memref<!tpu.dma_semaphore, #tpu.memory_space<semaphore_mem>>) src(%arg11 : memref<80x128xf32, #tpu.memory_space<vmem>>) dst(%dma_wait3A_66 : memref<10000x128xf32, #tpu.memory_space<vmem_shared>>)
          tpu.yield
        }) : () -> ()
      }
      %scan3A_29 = arith.constant 25 : i32
    }
    %scan3A_11 = arith.constant 5 : i32
    %barrier3A_12 = arith.constant 0 : index
    tpu.barrier barrier_id(%barrier3A_12)
    %lt3A_13 = arith.constant 15 : i32
    %lt3A_14 = arith.cmpi slt, %arg1, %lt3A_13 : i32
    %convert_element_type3A_15 = arith.extui %lt3A_14 : i1 to i32
    %cond3A_16 = arith.constant 0 : i32
    %cond3A_17 = arith.cmpi ne, %convert_element_type3A_15, %cond3A_16 : i32
    scf.if %cond3A_17 {
      %mul3A_23 = arith.constant 624 : i32
      %mul3A_24 = arith.muli %arg1, %mul3A_23 : i32
      %mul3A_25 = arith.constant 624 : i32
      %mul3A_26 = arith.muli %arg1, %mul3A_25 : i32
      "tpu.region"() ({
        %run_scoped3A = tpu.sem_alloc : memref<!tpu.dma_semaphore, #tpu.memory_space<semaphore_mem>>
        %dma_start3A = arith.constant 0 : i32
        %dma_start3A_27 = tpu.memref_slice %arg7[%arg0, %mul3A_26, %dma_start3A] : memref<2x10000x128xf32, #tpu.memory_space<hbm>> -> memref<1x624x128xf32, #tpu.memory_space<hbm>>
        %dma_start3A_28 = tpu.memref_squeeze %dma_start3A_27 : memref<1x624x128xf32, #tpu.memory_space<hbm>> -> memref<624x128xf32, #tpu.memory_space<hbm>>
        %dma_start3A_29 = arith.constant 0 : i32
        %dma_start3A_30 = tpu.memref_slice %arg12[%mul3A_24, %dma_start3A_29] : memref<10000x128xf32, #tpu.memory_space<vmem_shared>> -> memref<624x128xf32, #tpu.memory_space<vmem_shared>>
        tpu.enqueue_dma source(%dma_start3A_30 : memref<624x128xf32, #tpu.memory_space<vmem_shared>>) target(%dma_start3A_28 : memref<624x128xf32, #tpu.memory_space<hbm>>) target_semaphore(%run_scoped3A : memref<!tpu.dma_semaphore, #tpu.memory_space<semaphore_mem>>)
        %dma_wait3A = arith.constant 0 : i32
        %dma_wait3A_31 = tpu.memref_slice %arg7[%arg0, %mul3A_26, %dma_wait3A] : memref<2x10000x128xf32, #tpu.memory_space<hbm>> -> memref<1x624x128xf32, #tpu.memory_space<hbm>>
        %dma_wait3A_32 = tpu.memref_squeeze %dma_wait3A_31 : memref<1x624x128xf32, #tpu.memory_space<hbm>> -> memref<624x128xf32, #tpu.memory_space<hbm>>
        %dma_wait3A_33 = arith.constant 0 : i32
        %dma_wait3A_34 = tpu.memref_slice %arg12[%mul3A_24, %dma_wait3A_33] : memref<10000x128xf32, #tpu.memory_space<vmem_shared>> -> memref<624x128xf32, #tpu.memory_space<vmem_shared>>
        tpu.wait_dma2 semaphore(%run_scoped3A : memref<!tpu.dma_semaphore, #tpu.memory_space<semaphore_mem>>) src(%dma_wait3A_34 : memref<624x128xf32, #tpu.memory_space<vmem_shared>>) dst(%dma_wait3A_32 : memref<624x128xf32, #tpu.memory_space<hbm>>)
        tpu.yield
      }) : () -> ()
    } else {
    }
    %eq3A_18 = arith.constant 15 : i32
    %eq3A_19 = arith.cmpi eq, %arg1, %eq3A_18 : i32
    %convert_element_type3A_20 = arith.extui %eq3A_19 : i1 to i32
    %cond3A_21 = arith.constant 0 : i32
    %cond3A_22 = arith.cmpi ne, %convert_element_type3A_20, %cond3A_21 : i32
    scf.if %cond3A_22 {
      "tpu.region"() ({
        %run_scoped3A = tpu.sem_alloc : memref<!tpu.dma_semaphore, #tpu.memory_space<semaphore_mem>>
        %dma_start3A = arith.constant 9360 : i32
        %dma_start3A_23 = arith.constant 0 : i32
        %dma_start3A_24 = tpu.memref_slice %arg7[%arg0, %dma_start3A, %dma_start3A_23] : memref<2x10000x128xf32, #tpu.memory_space<hbm>> -> memref<1x640x128xf32, #tpu.memory_space<hbm>>
        %dma_start3A_25 = tpu.memref_squeeze %dma_start3A_24 : memref<1x640x128xf32, #tpu.memory_space<hbm>> -> memref<640x128xf32, #tpu.memory_space<hbm>>
        %dma_start3A_26 = arith.constant 9360 : i32
        %dma_start3A_27 = arith.constant 0 : i32
        %dma_start3A_28 = tpu.memref_slice %arg12[%dma_start3A_26, %dma_start3A_27] : memref<10000x128xf32, #tpu.memory_space<vmem_shared>> -> memref<640x128xf32, #tpu.memory_space<vmem_shared>>
        tpu.enqueue_dma source(%dma_start3A_28 : memref<640x128xf32, #tpu.memory_space<vmem_shared>>) target(%dma_start3A_25 : memref<640x128xf32, #tpu.memory_space<hbm>>) target_semaphore(%run_scoped3A : memref<!tpu.dma_semaphore, #tpu.memory_space<semaphore_mem>>)
        %dma_wait3A = arith.constant 9360 : i32
        %dma_wait3A_29 = arith.constant 0 : i32
        %dma_wait3A_30 = tpu.memref_slice %arg7[%arg0, %dma_wait3A, %dma_wait3A_29] : memref<2x10000x128xf32, #tpu.memory_space<hbm>> -> memref<1x640x128xf32, #tpu.memory_space<hbm>>
        %dma_wait3A_31 = tpu.memref_squeeze %dma_wait3A_30 : memref<1x640x128xf32, #tpu.memory_space<hbm>> -> memref<640x128xf32, #tpu.memory_space<hbm>>
        %dma_wait3A_32 = arith.constant 9360 : i32
        %dma_wait3A_33 = arith.constant 0 : i32
        %dma_wait3A_34 = tpu.memref_slice %arg12[%dma_wait3A_32, %dma_wait3A_33] : memref<10000x128xf32, #tpu.memory_space<vmem_shared>> -> memref<640x128xf32, #tpu.memory_space<vmem_shared>>
        tpu.wait_dma2 semaphore(%run_scoped3A : memref<!tpu.dma_semaphore, #tpu.memory_space<semaphore_mem>>) src(%dma_wait3A_34 : memref<640x128xf32, #tpu.memory_space<vmem_shared>>) dst(%dma_wait3A_31 : memref<640x128xf32, #tpu.memory_space<hbm>>)
        tpu.yield
      }) : () -> ()
    } else {
    }
    return
  }
}

#map = affine_map<(d0, d1) -> (0, 0)>
#map1 = affine_map<(d0, d1) -> (0, 0, 0, 0)>
#map2 = affine_map<(d0, d1) -> (0, 0, 0)>
module attributes {stable_mosaic.version = 14 : i64} {
  func.func @_sc_edge_body(%arg0: i32, %arg1: i32, %arg2: memref<10000x128xf32, #tpu.memory_space<hbm>>, %arg3: memref<320000x128xf32, #tpu.memory_space<hbm>>, %arg4: memref<32x5x25x80xi32, #tpu.memory_space<hbm>>, %arg5: memref<32x5x25x80xi32, #tpu.memory_space<hbm>>, %arg6: memref<10000x128xf32, #tpu.memory_space<hbm>>, %arg7: memref<2x10000x128xf32, #tpu.memory_space<hbm>>, %arg8: memref<25x80xi32, #tpu.memory_space<vmem>>, %arg9: memref<25x80xi32, #tpu.memory_space<vmem>>, %arg10: memref<80x128xf32, #tpu.memory_space<vmem>>, %arg11: memref<80x128xf32, #tpu.memory_space<vmem>>, %arg12: memref<10000x128xf32, #tpu.memory_space<vmem_shared>>, %arg13: memref<!tpu.dma_semaphore, #tpu.memory_space<semaphore_mem>>) attributes {dimension_semantics = [#tpu.dimension_semantics<core_parallel>, #tpu.dimension_semantics<subcore_parallel>], iteration_bounds = array<i64: 2, 16>, scalar_prefetch = 0 : i64, scratch_operands = 6 : i64, tpu.core_type = #tpu.core_type<sc_vector_subcore>, window_params = [{transform_indices = #map}, {transform_indices = #map}, {transform_indices = #map1}, {transform_indices = #map1}, {transform_indices = #map}, {transform_indices = #map2}]} {
    %mul3A = arith.constant 2 : i32
    %mul3A_0 = arith.muli %arg1, %mul3A : i32
    %add3A = arith.addi %mul3A_0, %arg0 : i32
    %lt3A = arith.constant 15 : i32
    %lt3A_1 = arith.cmpi slt, %arg1, %lt3A : i32
    %convert_element_type3A = arith.extui %lt3A_1 : i1 to i32
    %cond3A = arith.constant 0 : i32
    %cond3A_2 = arith.cmpi ne, %convert_element_type3A, %cond3A : i32
    scf.if %cond3A_2 {
      %mul3A_23 = arith.constant 624 : i32
      %mul3A_24 = arith.muli %arg1, %mul3A_23 : i32
      %mul3A_25 = arith.constant 624 : i32
      %mul3A_26 = arith.muli %arg1, %mul3A_25 : i32
      "tpu.region"() ({
        %run_scoped3A = tpu.sem_alloc : memref<!tpu.dma_semaphore, #tpu.memory_space<semaphore_mem>>
        %dma_start3A = arith.constant 0 : i32
        %dma_start3A_27 = tpu.memref_slice %arg12[%mul3A_26, %dma_start3A] : memref<10000x128xf32, #tpu.memory_space<vmem_shared>> -> memref<624x128xf32, #tpu.memory_space<vmem_shared>>
        %dma_start3A_28 = arith.constant 0 : i32
        %dma_start3A_29 = tpu.memref_slice %arg6[%mul3A_24, %dma_start3A_28] : memref<10000x128xf32, #tpu.memory_space<hbm>> -> memref<624x128xf32, #tpu.memory_space<hbm>>
        tpu.enqueue_dma source(%dma_start3A_29 : memref<624x128xf32, #tpu.memory_space<hbm>>) target(%dma_start3A_27 : memref<624x128xf32, #tpu.memory_space<vmem_shared>>) target_semaphore(%run_scoped3A : memref<!tpu.dma_semaphore, #tpu.memory_space<semaphore_mem>>)
        %dma_wait3A = arith.constant 0 : i32
        %dma_wait3A_30 = tpu.memref_slice %arg12[%mul3A_26, %dma_wait3A] : memref<10000x128xf32, #tpu.memory_space<vmem_shared>> -> memref<624x128xf32, #tpu.memory_space<vmem_shared>>
        %dma_wait3A_31 = arith.constant 0 : i32
        %dma_wait3A_32 = tpu.memref_slice %arg6[%mul3A_24, %dma_wait3A_31] : memref<10000x128xf32, #tpu.memory_space<hbm>> -> memref<624x128xf32, #tpu.memory_space<hbm>>
        tpu.wait_dma2 semaphore(%run_scoped3A : memref<!tpu.dma_semaphore, #tpu.memory_space<semaphore_mem>>) src(%dma_wait3A_32 : memref<624x128xf32, #tpu.memory_space<hbm>>) dst(%dma_wait3A_30 : memref<624x128xf32, #tpu.memory_space<vmem_shared>>)
        tpu.yield
      }) : () -> ()
    } else {
    }
    %eq3A = arith.constant 15 : i32
    %eq3A_3 = arith.cmpi eq, %arg1, %eq3A : i32
    %convert_element_type3A_4 = arith.extui %eq3A_3 : i1 to i32
    %cond3A_5 = arith.constant 0 : i32
    %cond3A_6 = arith.cmpi ne, %convert_element_type3A_4, %cond3A_5 : i32
    scf.if %cond3A_6 {
      "tpu.region"() ({
        %run_scoped3A = tpu.sem_alloc : memref<!tpu.dma_semaphore, #tpu.memory_space<semaphore_mem>>
        %dma_start3A = arith.constant 9360 : i32
        %dma_start3A_23 = arith.constant 0 : i32
        %dma_start3A_24 = tpu.memref_slice %arg12[%dma_start3A, %dma_start3A_23] : memref<10000x128xf32, #tpu.memory_space<vmem_shared>> -> memref<640x128xf32, #tpu.memory_space<vmem_shared>>
        %dma_start3A_25 = arith.constant 9360 : i32
        %dma_start3A_26 = arith.constant 0 : i32
        %dma_start3A_27 = tpu.memref_slice %arg6[%dma_start3A_25, %dma_start3A_26] : memref<10000x128xf32, #tpu.memory_space<hbm>> -> memref<640x128xf32, #tpu.memory_space<hbm>>
        tpu.enqueue_dma source(%dma_start3A_27 : memref<640x128xf32, #tpu.memory_space<hbm>>) target(%dma_start3A_24 : memref<640x128xf32, #tpu.memory_space<vmem_shared>>) target_semaphore(%run_scoped3A : memref<!tpu.dma_semaphore, #tpu.memory_space<semaphore_mem>>)
        %dma_wait3A = arith.constant 9360 : i32
        %dma_wait3A_28 = arith.constant 0 : i32
        %dma_wait3A_29 = tpu.memref_slice %arg12[%dma_wait3A, %dma_wait3A_28] : memref<10000x128xf32, #tpu.memory_space<vmem_shared>> -> memref<640x128xf32, #tpu.memory_space<vmem_shared>>
        %dma_wait3A_30 = arith.constant 9360 : i32
        %dma_wait3A_31 = arith.constant 0 : i32
        %dma_wait3A_32 = tpu.memref_slice %arg6[%dma_wait3A_30, %dma_wait3A_31] : memref<10000x128xf32, #tpu.memory_space<hbm>> -> memref<640x128xf32, #tpu.memory_space<hbm>>
        tpu.wait_dma2 semaphore(%run_scoped3A : memref<!tpu.dma_semaphore, #tpu.memory_space<semaphore_mem>>) src(%dma_wait3A_32 : memref<640x128xf32, #tpu.memory_space<hbm>>) dst(%dma_wait3A_29 : memref<640x128xf32, #tpu.memory_space<vmem_shared>>)
        tpu.yield
      }) : () -> ()
    } else {
    }
    %barrier3A = arith.constant 0 : index
    tpu.barrier barrier_id(%barrier3A)
    %scan3A = arith.constant 0 : i32
    %scan3A_7 = arith.constant 0 : i32
    %scan3A_8 = arith.constant 5 : i32
    %scan3A_9 = arith.addi %scan3A_7, %scan3A_8 : i32
    %scan3A_10 = arith.constant 1 : i32
    scf.for %scan3A_23 = %scan3A_7 to %scan3A_9 step %scan3A_10  : i32 {
      "tpu.region"() ({
        %run_scoped3A = tpu.sem_alloc : memref<!tpu.dma_semaphore, #tpu.memory_space<semaphore_mem>>
        %dma_start3A = arith.constant 0 : i32
        %dma_start3A_30 = arith.constant 0 : i32
        %dma_start3A_31 = tpu.memref_slice %arg4[%add3A, %scan3A_23, %dma_start3A, %dma_start3A_30] : memref<32x5x25x80xi32, #tpu.memory_space<hbm>> -> memref<1x1x25x80xi32, #tpu.memory_space<hbm>>
        %dma_start3A_32 = tpu.memref_squeeze %dma_start3A_31 : memref<1x1x25x80xi32, #tpu.memory_space<hbm>> -> memref<25x80xi32, #tpu.memory_space<hbm>>
        %dma_start3A_33 = arith.constant 0 : i32
        %dma_start3A_34 = arith.constant 0 : i32
        %dma_start3A_35 = tpu.memref_slice %arg4[%add3A, %scan3A_23, %dma_start3A_33, %dma_start3A_34] : memref<32x5x25x80xi32, #tpu.memory_space<hbm>> -> memref<1x1x25x80xi32, #tpu.memory_space<hbm>>
        %dma_start3A_36 = tpu.memref_squeeze %dma_start3A_35 : memref<1x1x25x80xi32, #tpu.memory_space<hbm>> -> memref<25x80xi32, #tpu.memory_space<hbm>>
        tpu.enqueue_dma source(%dma_start3A_36 : memref<25x80xi32, #tpu.memory_space<hbm>>) target(%arg8 : memref<25x80xi32, #tpu.memory_space<vmem>>) target_semaphore(%run_scoped3A : memref<!tpu.dma_semaphore, #tpu.memory_space<semaphore_mem>>)
        %dma_wait3A = arith.constant 0 : i32
        %dma_wait3A_37 = arith.constant 0 : i32
        %dma_wait3A_38 = tpu.memref_slice %arg4[%add3A, %scan3A_23, %dma_wait3A, %dma_wait3A_37] : memref<32x5x25x80xi32, #tpu.memory_space<hbm>> -> memref<1x1x25x80xi32, #tpu.memory_space<hbm>>
        %dma_wait3A_39 = tpu.memref_squeeze %dma_wait3A_38 : memref<1x1x25x80xi32, #tpu.memory_space<hbm>> -> memref<25x80xi32, #tpu.memory_space<hbm>>
        %dma_wait3A_40 = arith.constant 0 : i32
        %dma_wait3A_41 = arith.constant 0 : i32
        %dma_wait3A_42 = tpu.memref_slice %arg4[%add3A, %scan3A_23, %dma_wait3A_40, %dma_wait3A_41] : memref<32x5x25x80xi32, #tpu.memory_space<hbm>> -> memref<1x1x25x80xi32, #tpu.memory_space<hbm>>
        %dma_wait3A_43 = tpu.memref_squeeze %dma_wait3A_42 : memref<1x1x25x80xi32, #tpu.memory_space<hbm>> -> memref<25x80xi32, #tpu.memory_space<hbm>>
        tpu.wait_dma2 semaphore(%run_scoped3A : memref<!tpu.dma_semaphore, #tpu.memory_space<semaphore_mem>>) src(%dma_wait3A_43 : memref<25x80xi32, #tpu.memory_space<hbm>>) dst(%arg8 : memref<25x80xi32, #tpu.memory_space<vmem>>)
        tpu.yield
      }) : () -> ()
      "tpu.region"() ({
        %run_scoped3A = tpu.sem_alloc : memref<!tpu.dma_semaphore, #tpu.memory_space<semaphore_mem>>
        %dma_start3A = arith.constant 0 : i32
        %dma_start3A_30 = arith.constant 0 : i32
        %dma_start3A_31 = tpu.memref_slice %arg5[%add3A, %scan3A_23, %dma_start3A, %dma_start3A_30] : memref<32x5x25x80xi32, #tpu.memory_space<hbm>> -> memref<1x1x25x80xi32, #tpu.memory_space<hbm>>
        %dma_start3A_32 = tpu.memref_squeeze %dma_start3A_31 : memref<1x1x25x80xi32, #tpu.memory_space<hbm>> -> memref<25x80xi32, #tpu.memory_space<hbm>>
        %dma_start3A_33 = arith.constant 0 : i32
        %dma_start3A_34 = arith.constant 0 : i32
        %dma_start3A_35 = tpu.memref_slice %arg5[%add3A, %scan3A_23, %dma_start3A_33, %dma_start3A_34] : memref<32x5x25x80xi32, #tpu.memory_space<hbm>> -> memref<1x1x25x80xi32, #tpu.memory_space<hbm>>
        %dma_start3A_36 = tpu.memref_squeeze %dma_start3A_35 : memref<1x1x25x80xi32, #tpu.memory_space<hbm>> -> memref<25x80xi32, #tpu.memory_space<hbm>>
        tpu.enqueue_dma source(%dma_start3A_36 : memref<25x80xi32, #tpu.memory_space<hbm>>) target(%arg9 : memref<25x80xi32, #tpu.memory_space<vmem>>) target_semaphore(%run_scoped3A : memref<!tpu.dma_semaphore, #tpu.memory_space<semaphore_mem>>)
        %dma_wait3A = arith.constant 0 : i32
        %dma_wait3A_37 = arith.constant 0 : i32
        %dma_wait3A_38 = tpu.memref_slice %arg5[%add3A, %scan3A_23, %dma_wait3A, %dma_wait3A_37] : memref<32x5x25x80xi32, #tpu.memory_space<hbm>> -> memref<1x1x25x80xi32, #tpu.memory_space<hbm>>
        %dma_wait3A_39 = tpu.memref_squeeze %dma_wait3A_38 : memref<1x1x25x80xi32, #tpu.memory_space<hbm>> -> memref<25x80xi32, #tpu.memory_space<hbm>>
        %dma_wait3A_40 = arith.constant 0 : i32
        %dma_wait3A_41 = arith.constant 0 : i32
        %dma_wait3A_42 = tpu.memref_slice %arg5[%add3A, %scan3A_23, %dma_wait3A_40, %dma_wait3A_41] : memref<32x5x25x80xi32, #tpu.memory_space<hbm>> -> memref<1x1x25x80xi32, #tpu.memory_space<hbm>>
        %dma_wait3A_43 = tpu.memref_squeeze %dma_wait3A_42 : memref<1x1x25x80xi32, #tpu.memory_space<hbm>> -> memref<25x80xi32, #tpu.memory_space<hbm>>
        tpu.wait_dma2 semaphore(%run_scoped3A : memref<!tpu.dma_semaphore, #tpu.memory_space<semaphore_mem>>) src(%dma_wait3A_43 : memref<25x80xi32, #tpu.memory_space<hbm>>) dst(%arg9 : memref<25x80xi32, #tpu.memory_space<vmem>>)
        tpu.yield
      }) : () -> ()
      %scan3A_24 = arith.constant 0 : i32
      %scan3A_25 = arith.constant 0 : i32
      %scan3A_26 = arith.constant 25 : i32
      %scan3A_27 = arith.addi %scan3A_25, %scan3A_26 : i32
      %scan3A_28 = arith.constant 1 : i32
      scf.for %scan3A_30 = %scan3A_25 to %scan3A_27 step %scan3A_28  : i32 {
        %mul3A_31 = arith.constant 10000 : i32
        %mul3A_32 = arith.muli %add3A, %mul3A_31 : i32
        %mul3A_33 = arith.constant 25 : i32
        %mul3A_34 = arith.muli %scan3A_23, %mul3A_33 : i32
        %add3A_35 = arith.addi %mul3A_34, %scan3A_30 : i32
        %mul3A_36 = arith.constant 80 : i32
        %mul3A_37 = arith.muli %add3A_35, %mul3A_36 : i32
        %add3A_38 = arith.addi %mul3A_32, %mul3A_37 : i32
        %dma_start3A = arith.constant 0 : i32
        %dma_start3A_39 = tpu.memref_slice %arg8[%scan3A_30, %dma_start3A] : memref<25x80xi32, #tpu.memory_space<vmem>> -> memref<1x80xi32, #tpu.memory_space<vmem>>
        %dma_start3A_40 = tpu.memref_squeeze %dma_start3A_39 : memref<1x80xi32, #tpu.memory_space<vmem>> -> memref<80xi32, #tpu.memory_space<vmem>>
        %dma_start3A_41 = arith.constant 0 : i32
        %dma_start3A_42 = arith.constant 0 : i32
        %dma_start3A_43 = tpu.memref_slice %arg2[%dma_start3A_41, %dma_start3A_42] : memref<10000x128xf32, #tpu.memory_space<hbm>> -> memref<10000x128xf32, #tpu.memory_space<hbm>>
        tpu.enqueue_indirect_dma source(%dma_start3A_43 : memref<10000x128xf32, #tpu.memory_space<hbm>>) target(%arg10 : memref<80x128xf32, #tpu.memory_space<vmem>>) offsets(%dma_start3A_40 : memref<80xi32, #tpu.memory_space<vmem>>) semaphore(%arg13 : memref<!tpu.dma_semaphore, #tpu.memory_space<semaphore_mem>>)
        "tpu.region"() ({
          %run_scoped3A = tpu.sem_alloc : memref<!tpu.dma_semaphore, #tpu.memory_space<semaphore_mem>>
          %dma_start3A_55 = arith.constant 0 : i32
          %dma_start3A_56 = tpu.memref_slice %arg3[%add3A_38, %dma_start3A_55] : memref<320000x128xf32, #tpu.memory_space<hbm>> -> memref<80x128xf32, #tpu.memory_space<hbm>>
          %dma_start3A_57 = arith.constant 0 : i32
          %dma_start3A_58 = tpu.memref_slice %arg3[%add3A_38, %dma_start3A_57] : memref<320000x128xf32, #tpu.memory_space<hbm>> -> memref<80x128xf32, #tpu.memory_space<hbm>>
          tpu.enqueue_dma source(%dma_start3A_58 : memref<80x128xf32, #tpu.memory_space<hbm>>) target(%arg11 : memref<80x128xf32, #tpu.memory_space<vmem>>) target_semaphore(%run_scoped3A : memref<!tpu.dma_semaphore, #tpu.memory_space<semaphore_mem>>)
          %dma_wait3A_59 = arith.constant 0 : i32
          %dma_wait3A_60 = tpu.memref_slice %arg3[%add3A_38, %dma_wait3A_59] : memref<320000x128xf32, #tpu.memory_space<hbm>> -> memref<80x128xf32, #tpu.memory_space<hbm>>
          %dma_wait3A_61 = arith.constant 0 : i32
          %dma_wait3A_62 = tpu.memref_slice %arg3[%add3A_38, %dma_wait3A_61] : memref<320000x128xf32, #tpu.memory_space<hbm>> -> memref<80x128xf32, #tpu.memory_space<hbm>>
          tpu.wait_dma2 semaphore(%run_scoped3A : memref<!tpu.dma_semaphore, #tpu.memory_space<semaphore_mem>>) src(%dma_wait3A_62 : memref<80x128xf32, #tpu.memory_space<hbm>>) dst(%arg11 : memref<80x128xf32, #tpu.memory_space<vmem>>)
          tpu.yield
        }) : () -> ()
        %dma_wait3A = arith.constant 0 : i32
        %dma_wait3A_44 = tpu.memref_slice %arg8[%scan3A_30, %dma_wait3A] : memref<25x80xi32, #tpu.memory_space<vmem>> -> memref<1x80xi32, #tpu.memory_space<vmem>>
        %dma_wait3A_45 = tpu.memref_squeeze %dma_wait3A_44 : memref<1x80xi32, #tpu.memory_space<vmem>> -> memref<80xi32, #tpu.memory_space<vmem>>
        %dma_wait3A_46 = arith.constant 0 : i32
        %dma_wait3A_47 = arith.constant 0 : i32
        %dma_wait3A_48 = tpu.memref_slice %arg2[%dma_wait3A_46, %dma_wait3A_47] : memref<10000x128xf32, #tpu.memory_space<hbm>> -> memref<10000x128xf32, #tpu.memory_space<hbm>>
        tpu.wait_indirect_dma semaphore(%arg13 : memref<!tpu.dma_semaphore, #tpu.memory_space<semaphore_mem>>) src(%dma_wait3A_48 : memref<10000x128xf32, #tpu.memory_space<hbm>>) dst(%arg10 : memref<80x128xf32, #tpu.memory_space<vmem>>)
        %scan3A_49 = arith.constant 0 : i32
        %scan3A_50 = arith.constant 0 : i32
        %scan3A_51 = arith.constant 80 : i32
        %scan3A_52 = arith.addi %scan3A_50, %scan3A_51 : i32
        %scan3A_53 = arith.constant 1 : i32
        scf.for %scan3A_55 = %scan3A_50 to %scan3A_52 step %scan3A_53  : i32 {
          %get3A = arith.index_cast %scan3A_55 : i32 to index
          %get3A_56 = arith.constant 0 : index
          %get3A_57 = tpu.vector_load %arg11[%get3A, %get3A_56] {strides = array<i32>} : memref<80x128xf32, #tpu.memory_space<vmem>>, vector<1x16xf32>,
          %get3A_58 = vector.shape_cast %get3A_57 : vector<1x16xf32> to vector<16xf32>
          %get3A_59 = arith.index_cast %scan3A_55 : i32 to index
          %get3A_60 = arith.constant 0 : index
          %get3A_61 = tpu.vector_load %arg10[%get3A_59, %get3A_60] {strides = array<i32>} : memref<80x128xf32, #tpu.memory_space<vmem>>, vector<1x16xf32>,
          %get3A_62 = vector.shape_cast %get3A_61 : vector<1x16xf32> to vector<16xf32>
          %add3A_63 = arith.addf %get3A_58, %get3A_62 : vector<16xf32>
          %max3A = arith.constant 0.000000e+00 : f32
          %max3A_64 = vector.broadcast %max3A : f32 to vector<16xf32>
          %max3A_65 = arith.maximumf %add3A_63, %max3A_64 : vector<16xf32>
          %swap3A = arith.index_cast %scan3A_55 : i32 to index
          %swap3A_66 = arith.constant 0 : index
          %swap3A_67 = tpu.vector_load %arg11[%swap3A, %swap3A_66] {strides = array<i32>} : memref<80x128xf32, #tpu.memory_space<vmem>>, vector<1x16xf32>,
          %swap3A_68 = vector.shape_cast %swap3A_67 : vector<1x16xf32> to vector<16xf32>
          %swap3A_69 = vector.shape_cast %max3A_65 : vector<16xf32> to vector<1x16xf32>
          tpu.vector_store %arg11[%swap3A, %swap3A_66], %swap3A_69 {strides = array<i32>} : memref<80x128xf32, #tpu.memory_space<vmem>>, vector<1x16xf32>,
          %get3A_70 = arith.index_cast %scan3A_55 : i32 to index
          %get3A_71 = arith.constant 16 : index
          %get3A_72 = tpu.vector_load %arg11[%get3A_70, %get3A_71] {strides = array<i32>} : memref<80x128xf32, #tpu.memory_space<vmem>>, vector<1x16xf32>,
          %get3A_73 = vector.shape_cast %get3A_72 : vector<1x16xf32> to vector<16xf32>
          %get3A_74 = arith.index_cast %scan3A_55 : i32 to index
          %get3A_75 = arith.constant 16 : index
          %get3A_76 = tpu.vector_load %arg10[%get3A_74, %get3A_75] {strides = array<i32>} : memref<80x128xf32, #tpu.memory_space<vmem>>, vector<1x16xf32>,
          %get3A_77 = vector.shape_cast %get3A_76 : vector<1x16xf32> to vector<16xf32>
          %add3A_78 = arith.addf %get3A_73, %get3A_77 : vector<16xf32>
          %max3A_79 = arith.constant 0.000000e+00 : f32
          %max3A_80 = vector.broadcast %max3A_79 : f32 to vector<16xf32>
          %max3A_81 = arith.maximumf %add3A_78, %max3A_80 : vector<16xf32>
          %swap3A_82 = arith.index_cast %scan3A_55 : i32 to index
          %swap3A_83 = arith.constant 16 : index
          %swap3A_84 = tpu.vector_load %arg11[%swap3A_82, %swap3A_83] {strides = array<i32>} : memref<80x128xf32, #tpu.memory_space<vmem>>, vector<1x16xf32>,
          %swap3A_85 = vector.shape_cast %swap3A_84 : vector<1x16xf32> to vector<16xf32>
          %swap3A_86 = vector.shape_cast %max3A_81 : vector<16xf32> to vector<1x16xf32>
          tpu.vector_store %arg11[%swap3A_82, %swap3A_83], %swap3A_86 {strides = array<i32>} : memref<80x128xf32, #tpu.memory_space<vmem>>, vector<1x16xf32>,
          %get3A_87 = arith.index_cast %scan3A_55 : i32 to index
          %get3A_88 = arith.constant 32 : index
          %get3A_89 = tpu.vector_load %arg11[%get3A_87, %get3A_88] {strides = array<i32>} : memref<80x128xf32, #tpu.memory_space<vmem>>, vector<1x16xf32>,
          %get3A_90 = vector.shape_cast %get3A_89 : vector<1x16xf32> to vector<16xf32>
          %get3A_91 = arith.index_cast %scan3A_55 : i32 to index
          %get3A_92 = arith.constant 32 : index
          %get3A_93 = tpu.vector_load %arg10[%get3A_91, %get3A_92] {strides = array<i32>} : memref<80x128xf32, #tpu.memory_space<vmem>>, vector<1x16xf32>,
          %get3A_94 = vector.shape_cast %get3A_93 : vector<1x16xf32> to vector<16xf32>
          %add3A_95 = arith.addf %get3A_90, %get3A_94 : vector<16xf32>
          %max3A_96 = arith.constant 0.000000e+00 : f32
          %max3A_97 = vector.broadcast %max3A_96 : f32 to vector<16xf32>
          %max3A_98 = arith.maximumf %add3A_95, %max3A_97 : vector<16xf32>
          %swap3A_99 = arith.index_cast %scan3A_55 : i32 to index
          %swap3A_100 = arith.constant 32 : index
          %swap3A_101 = tpu.vector_load %arg11[%swap3A_99, %swap3A_100] {strides = array<i32>} : memref<80x128xf32, #tpu.memory_space<vmem>>, vector<1x16xf32>,
          %swap3A_102 = vector.shape_cast %swap3A_101 : vector<1x16xf32> to vector<16xf32>
          %swap3A_103 = vector.shape_cast %max3A_98 : vector<16xf32> to vector<1x16xf32>
          tpu.vector_store %arg11[%swap3A_99, %swap3A_100], %swap3A_103 {strides = array<i32>} : memref<80x128xf32, #tpu.memory_space<vmem>>, vector<1x16xf32>,
          %get3A_104 = arith.index_cast %scan3A_55 : i32 to index
          %get3A_105 = arith.constant 48 : index
          %get3A_106 = tpu.vector_load %arg11[%get3A_104, %get3A_105] {strides = array<i32>} : memref<80x128xf32, #tpu.memory_space<vmem>>, vector<1x16xf32>,
          %get3A_107 = vector.shape_cast %get3A_106 : vector<1x16xf32> to vector<16xf32>
          %get3A_108 = arith.index_cast %scan3A_55 : i32 to index
          %get3A_109 = arith.constant 48 : index
          %get3A_110 = tpu.vector_load %arg10[%get3A_108, %get3A_109] {strides = array<i32>} : memref<80x128xf32, #tpu.memory_space<vmem>>, vector<1x16xf32>,
          %get3A_111 = vector.shape_cast %get3A_110 : vector<1x16xf32> to vector<16xf32>
          %add3A_112 = arith.addf %get3A_107, %get3A_111 : vector<16xf32>
          %max3A_113 = arith.constant 0.000000e+00 : f32
          %max3A_114 = vector.broadcast %max3A_113 : f32 to vector<16xf32>
          %max3A_115 = arith.maximumf %add3A_112, %max3A_114 : vector<16xf32>
          %swap3A_116 = arith.index_cast %scan3A_55 : i32 to index
          %swap3A_117 = arith.constant 48 : index
          %swap3A_118 = tpu.vector_load %arg11[%swap3A_116, %swap3A_117] {strides = array<i32>} : memref<80x128xf32, #tpu.memory_space<vmem>>, vector<1x16xf32>,
          %swap3A_119 = vector.shape_cast %swap3A_118 : vector<1x16xf32> to vector<16xf32>
          %swap3A_120 = vector.shape_cast %max3A_115 : vector<16xf32> to vector<1x16xf32>
          tpu.vector_store %arg11[%swap3A_116, %swap3A_117], %swap3A_120 {strides = array<i32>} : memref<80x128xf32, #tpu.memory_space<vmem>>, vector<1x16xf32>,
          %get3A_121 = arith.index_cast %scan3A_55 : i32 to index
          %get3A_122 = arith.constant 64 : index
          %get3A_123 = tpu.vector_load %arg11[%get3A_121, %get3A_122] {strides = array<i32>} : memref<80x128xf32, #tpu.memory_space<vmem>>, vector<1x16xf32>,
          %get3A_124 = vector.shape_cast %get3A_123 : vector<1x16xf32> to vector<16xf32>
          %get3A_125 = arith.index_cast %scan3A_55 : i32 to index
          %get3A_126 = arith.constant 64 : index
          %get3A_127 = tpu.vector_load %arg10[%get3A_125, %get3A_126] {strides = array<i32>} : memref<80x128xf32, #tpu.memory_space<vmem>>, vector<1x16xf32>,
          %get3A_128 = vector.shape_cast %get3A_127 : vector<1x16xf32> to vector<16xf32>
          %add3A_129 = arith.addf %get3A_124, %get3A_128 : vector<16xf32>
          %max3A_130 = arith.constant 0.000000e+00 : f32
          %max3A_131 = vector.broadcast %max3A_130 : f32 to vector<16xf32>
          %max3A_132 = arith.maximumf %add3A_129, %max3A_131 : vector<16xf32>
          %swap3A_133 = arith.index_cast %scan3A_55 : i32 to index
          %swap3A_134 = arith.constant 64 : index
          %swap3A_135 = tpu.vector_load %arg11[%swap3A_133, %swap3A_134] {strides = array<i32>} : memref<80x128xf32, #tpu.memory_space<vmem>>, vector<1x16xf32>,
          %swap3A_136 = vector.shape_cast %swap3A_135 : vector<1x16xf32> to vector<16xf32>
          %swap3A_137 = vector.shape_cast %max3A_132 : vector<16xf32> to vector<1x16xf32>
          tpu.vector_store %arg11[%swap3A_133, %swap3A_134], %swap3A_137 {strides = array<i32>} : memref<80x128xf32, #tpu.memory_space<vmem>>, vector<1x16xf32>,
          %get3A_138 = arith.index_cast %scan3A_55 : i32 to index
          %get3A_139 = arith.constant 80 : index
          %get3A_140 = tpu.vector_load %arg11[%get3A_138, %get3A_139] {strides = array<i32>} : memref<80x128xf32, #tpu.memory_space<vmem>>, vector<1x16xf32>,
          %get3A_141 = vector.shape_cast %get3A_140 : vector<1x16xf32> to vector<16xf32>
          %get3A_142 = arith.index_cast %scan3A_55 : i32 to index
          %get3A_143 = arith.constant 80 : index
          %get3A_144 = tpu.vector_load %arg10[%get3A_142, %get3A_143] {strides = array<i32>} : memref<80x128xf32, #tpu.memory_space<vmem>>, vector<1x16xf32>,
          %get3A_145 = vector.shape_cast %get3A_144 : vector<1x16xf32> to vector<16xf32>
          %add3A_146 = arith.addf %get3A_141, %get3A_145 : vector<16xf32>
          %max3A_147 = arith.constant 0.000000e+00 : f32
          %max3A_148 = vector.broadcast %max3A_147 : f32 to vector<16xf32>
          %max3A_149 = arith.maximumf %add3A_146, %max3A_148 : vector<16xf32>
          %swap3A_150 = arith.index_cast %scan3A_55 : i32 to index
          %swap3A_151 = arith.constant 80 : index
          %swap3A_152 = tpu.vector_load %arg11[%swap3A_150, %swap3A_151] {strides = array<i32>} : memref<80x128xf32, #tpu.memory_space<vmem>>, vector<1x16xf32>,
          %swap3A_153 = vector.shape_cast %swap3A_152 : vector<1x16xf32> to vector<16xf32>
          %swap3A_154 = vector.shape_cast %max3A_149 : vector<16xf32> to vector<1x16xf32>
          tpu.vector_store %arg11[%swap3A_150, %swap3A_151], %swap3A_154 {strides = array<i32>} : memref<80x128xf32, #tpu.memory_space<vmem>>, vector<1x16xf32>,
          %get3A_155 = arith.index_cast %scan3A_55 : i32 to index
          %get3A_156 = arith.constant 96 : index
          %get3A_157 = tpu.vector_load %arg11[%get3A_155, %get3A_156] {strides = array<i32>} : memref<80x128xf32, #tpu.memory_space<vmem>>, vector<1x16xf32>,
          %get3A_158 = vector.shape_cast %get3A_157 : vector<1x16xf32> to vector<16xf32>
          %get3A_159 = arith.index_cast %scan3A_55 : i32 to index
          %get3A_160 = arith.constant 96 : index
          %get3A_161 = tpu.vector_load %arg10[%get3A_159, %get3A_160] {strides = array<i32>} : memref<80x128xf32, #tpu.memory_space<vmem>>, vector<1x16xf32>,
          %get3A_162 = vector.shape_cast %get3A_161 : vector<1x16xf32> to vector<16xf32>
          %add3A_163 = arith.addf %get3A_158, %get3A_162 : vector<16xf32>
          %max3A_164 = arith.constant 0.000000e+00 : f32
          %max3A_165 = vector.broadcast %max3A_164 : f32 to vector<16xf32>
          %max3A_166 = arith.maximumf %add3A_163, %max3A_165 : vector<16xf32>
          %swap3A_167 = arith.index_cast %scan3A_55 : i32 to index
          %swap3A_168 = arith.constant 96 : index
          %swap3A_169 = tpu.vector_load %arg11[%swap3A_167, %swap3A_168] {strides = array<i32>} : memref<80x128xf32, #tpu.memory_space<vmem>>, vector<1x16xf32>,
          %swap3A_170 = vector.shape_cast %swap3A_169 : vector<1x16xf32> to vector<16xf32>
          %swap3A_171 = vector.shape_cast %max3A_166 : vector<16xf32> to vector<1x16xf32>
          tpu.vector_store %arg11[%swap3A_167, %swap3A_168], %swap3A_171 {strides = array<i32>} : memref<80x128xf32, #tpu.memory_space<vmem>>, vector<1x16xf32>,
          %get3A_172 = arith.index_cast %scan3A_55 : i32 to index
          %get3A_173 = arith.constant 112 : index
          %get3A_174 = tpu.vector_load %arg11[%get3A_172, %get3A_173] {strides = array<i32>} : memref<80x128xf32, #tpu.memory_space<vmem>>, vector<1x16xf32>,
          %get3A_175 = vector.shape_cast %get3A_174 : vector<1x16xf32> to vector<16xf32>
          %get3A_176 = arith.index_cast %scan3A_55 : i32 to index
          %get3A_177 = arith.constant 112 : index
          %get3A_178 = tpu.vector_load %arg10[%get3A_176, %get3A_177] {strides = array<i32>} : memref<80x128xf32, #tpu.memory_space<vmem>>, vector<1x16xf32>,
          %get3A_179 = vector.shape_cast %get3A_178 : vector<1x16xf32> to vector<16xf32>
          %add3A_180 = arith.addf %get3A_175, %get3A_179 : vector<16xf32>
          %max3A_181 = arith.constant 0.000000e+00 : f32
          %max3A_182 = vector.broadcast %max3A_181 : f32 to vector<16xf32>
          %max3A_183 = arith.maximumf %add3A_180, %max3A_182 : vector<16xf32>
          %swap3A_184 = arith.index_cast %scan3A_55 : i32 to index
          %swap3A_185 = arith.constant 112 : index
          %swap3A_186 = tpu.vector_load %arg11[%swap3A_184, %swap3A_185] {strides = array<i32>} : memref<80x128xf32, #tpu.memory_space<vmem>>, vector<1x16xf32>,
          %swap3A_187 = vector.shape_cast %swap3A_186 : vector<1x16xf32> to vector<16xf32>
          %swap3A_188 = vector.shape_cast %max3A_183 : vector<16xf32> to vector<1x16xf32>
          tpu.vector_store %arg11[%swap3A_184, %swap3A_185], %swap3A_188 {strides = array<i32>} : memref<80x128xf32, #tpu.memory_space<vmem>>, vector<1x16xf32>,
        }
        %scan3A_54 = arith.constant 80 : i32
        "tpu.region"() ({
          %run_scoped3A = tpu.sem_alloc : memref<!tpu.dma_semaphore, #tpu.memory_space<semaphore_mem>>
          %dma_start3A_55 = arith.constant 0 : i32
          %dma_start3A_56 = tpu.memref_slice %arg9[%scan3A_30, %dma_start3A_55] : memref<25x80xi32, #tpu.memory_space<vmem>> -> memref<1x80xi32, #tpu.memory_space<vmem>>
          %dma_start3A_57 = tpu.memref_squeeze %dma_start3A_56 : memref<1x80xi32, #tpu.memory_space<vmem>> -> memref<80xi32, #tpu.memory_space<vmem>>
          %dma_start3A_58 = arith.constant 0 : i32
          %dma_start3A_59 = arith.constant 0 : i32
          %dma_start3A_60 = tpu.memref_slice %arg12[%dma_start3A_58, %dma_start3A_59] : memref<10000x128xf32, #tpu.memory_space<vmem_shared>> -> memref<10000x128xf32, #tpu.memory_space<vmem_shared>>
          tpu.enqueue_indirect_dma source(%arg11 : memref<80x128xf32, #tpu.memory_space<vmem>>) target(%dma_start3A_60 : memref<10000x128xf32, #tpu.memory_space<vmem_shared>>) offsets(%dma_start3A_57 : memref<80xi32, #tpu.memory_space<vmem>>) semaphore(%run_scoped3A : memref<!tpu.dma_semaphore, #tpu.memory_space<semaphore_mem>>) {add = true}
          %dma_wait3A_61 = arith.constant 0 : i32
          %dma_wait3A_62 = tpu.memref_slice %arg9[%scan3A_30, %dma_wait3A_61] : memref<25x80xi32, #tpu.memory_space<vmem>> -> memref<1x80xi32, #tpu.memory_space<vmem>>
          %dma_wait3A_63 = tpu.memref_squeeze %dma_wait3A_62 : memref<1x80xi32, #tpu.memory_space<vmem>> -> memref<80xi32, #tpu.memory_space<vmem>>
          %dma_wait3A_64 = arith.constant 0 : i32
          %dma_wait3A_65 = arith.constant 0 : i32
          %dma_wait3A_66 = tpu.memref_slice %arg12[%dma_wait3A_64, %dma_wait3A_65] : memref<10000x128xf32, #tpu.memory_space<vmem_shared>> -> memref<10000x128xf32, #tpu.memory_space<vmem_shared>>
          tpu.wait_indirect_dma semaphore(%run_scoped3A : memref<!tpu.dma_semaphore, #tpu.memory_space<semaphore_mem>>) src(%arg11 : memref<80x128xf32, #tpu.memory_space<vmem>>) dst(%dma_wait3A_66 : memref<10000x128xf32, #tpu.memory_space<vmem_shared>>)
          tpu.yield
        }) : () -> ()
      }
      %scan3A_29 = arith.constant 25 : i32
    }
    %scan3A_11 = arith.constant 5 : i32
    %barrier3A_12 = arith.constant 0 : index
    tpu.barrier barrier_id(%barrier3A_12)
    %lt3A_13 = arith.constant 15 : i32
    %lt3A_14 = arith.cmpi slt, %arg1, %lt3A_13 : i32
    %convert_element_type3A_15 = arith.extui %lt3A_14 : i1 to i32
    %cond3A_16 = arith.constant 0 : i32
    %cond3A_17 = arith.cmpi ne, %convert_element_type3A_15, %cond3A_16 : i32
    scf.if %cond3A_17 {
      %mul3A_23 = arith.constant 624 : i32
      %mul3A_24 = arith.muli %arg1, %mul3A_23 : i32
      %mul3A_25 = arith.constant 624 : i32
      %mul3A_26 = arith.muli %arg1, %mul3A_25 : i32
      "tpu.region"() ({
        %run_scoped3A = tpu.sem_alloc : memref<!tpu.dma_semaphore, #tpu.memory_space<semaphore_mem>>
        %dma_start3A = arith.constant 0 : i32
        %dma_start3A_27 = tpu.memref_slice %arg7[%arg0, %mul3A_26, %dma_start3A] : memref<2x10000x128xf32, #tpu.memory_space<hbm>> -> memref<1x624x128xf32, #tpu.memory_space<hbm>>
        %dma_start3A_28 = tpu.memref_squeeze %dma_start3A_27 : memref<1x624x128xf32, #tpu.memory_space<hbm>> -> memref<624x128xf32, #tpu.memory_space<hbm>>
        %dma_start3A_29 = arith.constant 0 : i32
        %dma_start3A_30 = tpu.memref_slice %arg12[%mul3A_24, %dma_start3A_29] : memref<10000x128xf32, #tpu.memory_space<vmem_shared>> -> memref<624x128xf32, #tpu.memory_space<vmem_shared>>
        tpu.enqueue_dma source(%dma_start3A_30 : memref<624x128xf32, #tpu.memory_space<vmem_shared>>) target(%dma_start3A_28 : memref<624x128xf32, #tpu.memory_space<hbm>>) target_semaphore(%run_scoped3A : memref<!tpu.dma_semaphore, #tpu.memory_space<semaphore_mem>>)
        %dma_wait3A = arith.constant 0 : i32
        %dma_wait3A_31 = tpu.memref_slice %arg7[%arg0, %mul3A_26, %dma_wait3A] : memref<2x10000x128xf32, #tpu.memory_space<hbm>> -> memref<1x624x128xf32, #tpu.memory_space<hbm>>
        %dma_wait3A_32 = tpu.memref_squeeze %dma_wait3A_31 : memref<1x624x128xf32, #tpu.memory_space<hbm>> -> memref<624x128xf32, #tpu.memory_space<hbm>>
        %dma_wait3A_33 = arith.constant 0 : i32
        %dma_wait3A_34 = tpu.memref_slice %arg12[%mul3A_24, %dma_wait3A_33] : memref<10000x128xf32, #tpu.memory_space<vmem_shared>> -> memref<624x128xf32, #tpu.memory_space<vmem_shared>>
        tpu.wait_dma2 semaphore(%run_scoped3A : memref<!tpu.dma_semaphore, #tpu.memory_space<semaphore_mem>>) src(%dma_wait3A_34 : memref<624x128xf32, #tpu.memory_space<vmem_shared>>) dst(%dma_wait3A_32 : memref<624x128xf32, #tpu.memory_space<hbm>>)
        tpu.yield
      }) : () -> ()
    } else {
    }
    %eq3A_18 = arith.constant 15 : i32
    %eq3A_19 = arith.cmpi eq, %arg1, %eq3A_18 : i32
    %convert_element_type3A_20 = arith.extui %eq3A_19 : i1 to i32
    %cond3A_21 = arith.constant 0 : i32
    %cond3A_22 = arith.cmpi ne, %convert_element_type3A_20, %cond3A_21 : i32
    scf.if %cond3A_22 {
      "tpu.region"() ({
        %run_scoped3A = tpu.sem_alloc : memref<!tpu.dma_semaphore, #tpu.memory_space<semaphore_mem>>
        %dma_start3A = arith.constant 9360 : i32
        %dma_start3A_23 = arith.constant 0 : i32
        %dma_start3A_24 = tpu.memref_slice %arg7[%arg0, %dma_start3A, %dma_start3A_23] : memref<2x10000x128xf32, #tpu.memory_space<hbm>> -> memref<1x640x128xf32, #tpu.memory_space<hbm>>
        %dma_start3A_25 = tpu.memref_squeeze %dma_start3A_24 : memref<1x640x128xf32, #tpu.memory_space<hbm>> -> memref<640x128xf32, #tpu.memory_space<hbm>>
        %dma_start3A_26 = arith.constant 9360 : i32
        %dma_start3A_27 = arith.constant 0 : i32
        %dma_start3A_28 = tpu.memref_slice %arg12[%dma_start3A_26, %dma_start3A_27] : memref<10000x128xf32, #tpu.memory_space<vmem_shared>> -> memref<640x128xf32, #tpu.memory_space<vmem_shared>>
        tpu.enqueue_dma source(%dma_start3A_28 : memref<640x128xf32, #tpu.memory_space<vmem_shared>>) target(%dma_start3A_25 : memref<640x128xf32, #tpu.memory_space<hbm>>) target_semaphore(%run_scoped3A : memref<!tpu.dma_semaphore, #tpu.memory_space<semaphore_mem>>)
        %dma_wait3A = arith.constant 9360 : i32
        %dma_wait3A_29 = arith.constant 0 : i32
        %dma_wait3A_30 = tpu.memref_slice %arg7[%arg0, %dma_wait3A, %dma_wait3A_29] : memref<2x10000x128xf32, #tpu.memory_space<hbm>> -> memref<1x640x128xf32, #tpu.memory_space<hbm>>
        %dma_wait3A_31 = tpu.memref_squeeze %dma_wait3A_30 : memref<1x640x128xf32, #tpu.memory_space<hbm>> -> memref<640x128xf32, #tpu.memory_space<hbm>>
        %dma_wait3A_32 = arith.constant 9360 : i32
        %dma_wait3A_33 = arith.constant 0 : i32
        %dma_wait3A_34 = tpu.memref_slice %arg12[%dma_wait3A_32, %dma_wait3A_33] : memref<10000x128xf32, #tpu.memory_space<vmem_shared>> -> memref<640x128xf32, #tpu.memory_space<vmem_shared>>
        tpu.wait_dma2 semaphore(%run_scoped3A : memref<!tpu.dma_semaphore, #tpu.memory_space<semaphore_mem>>) src(%dma_wait3A_34 : memref<640x128xf32, #tpu.memory_space<vmem_shared>>) dst(%dma_wait3A_31 : memref<640x128xf32, #tpu.memory_space<hbm>>)
        tpu.yield
      }) : () -> ()
    } else {
    }
    return
  }
}

#map = affine_map<(d0, d1) -> (0, 0)>
#map1 = affine_map<(d0, d1) -> (0, 0, 0, 0)>
#map2 = affine_map<(d0, d1) -> (0, 0, 0)>
module attributes {stable_mosaic.version = 14 : i64} {
  func.func @_sc_edge_body(%arg0: i32, %arg1: i32, %arg2: memref<10000x128xf32, #tpu.memory_space<hbm>>, %arg3: memref<320000x128xf32, #tpu.memory_space<hbm>>, %arg4: memref<32x5x25x80xi32, #tpu.memory_space<hbm>>, %arg5: memref<32x5x25x80xi32, #tpu.memory_space<hbm>>, %arg6: memref<10000x128xf32, #tpu.memory_space<hbm>>, %arg7: memref<2x10000x128xf32, #tpu.memory_space<hbm>>, %arg8: memref<25x80xi32, #tpu.memory_space<vmem>>, %arg9: memref<25x80xi32, #tpu.memory_space<vmem>>, %arg10: memref<80x128xf32, #tpu.memory_space<vmem>>, %arg11: memref<80x128xf32, #tpu.memory_space<vmem>>, %arg12: memref<10000x128xf32, #tpu.memory_space<vmem_shared>>, %arg13: memref<!tpu.dma_semaphore, #tpu.memory_space<semaphore_mem>>) attributes {dimension_semantics = [#tpu.dimension_semantics<core_parallel>, #tpu.dimension_semantics<subcore_parallel>], iteration_bounds = array<i64: 2, 16>, scalar_prefetch = 0 : i64, scratch_operands = 6 : i64, tpu.core_type = #tpu.core_type<sc_vector_subcore>, window_params = [{transform_indices = #map}, {transform_indices = #map}, {transform_indices = #map1}, {transform_indices = #map1}, {transform_indices = #map}, {transform_indices = #map2}]} {
    %mul3A = arith.constant 2 : i32
    %mul3A_0 = arith.muli %arg1, %mul3A : i32
    %add3A = arith.addi %mul3A_0, %arg0 : i32
    %lt3A = arith.constant 15 : i32
    %lt3A_1 = arith.cmpi slt, %arg1, %lt3A : i32
    %convert_element_type3A = arith.extui %lt3A_1 : i1 to i32
    %cond3A = arith.constant 0 : i32
    %cond3A_2 = arith.cmpi ne, %convert_element_type3A, %cond3A : i32
    scf.if %cond3A_2 {
      %mul3A_23 = arith.constant 624 : i32
      %mul3A_24 = arith.muli %arg1, %mul3A_23 : i32
      %mul3A_25 = arith.constant 624 : i32
      %mul3A_26 = arith.muli %arg1, %mul3A_25 : i32
      "tpu.region"() ({
        %run_scoped3A = tpu.sem_alloc : memref<!tpu.dma_semaphore, #tpu.memory_space<semaphore_mem>>
        %dma_start3A = arith.constant 0 : i32
        %dma_start3A_27 = tpu.memref_slice %arg12[%mul3A_26, %dma_start3A] : memref<10000x128xf32, #tpu.memory_space<vmem_shared>> -> memref<624x128xf32, #tpu.memory_space<vmem_shared>>
        %dma_start3A_28 = arith.constant 0 : i32
        %dma_start3A_29 = tpu.memref_slice %arg6[%mul3A_24, %dma_start3A_28] : memref<10000x128xf32, #tpu.memory_space<hbm>> -> memref<624x128xf32, #tpu.memory_space<hbm>>
        tpu.enqueue_dma source(%dma_start3A_29 : memref<624x128xf32, #tpu.memory_space<hbm>>) target(%dma_start3A_27 : memref<624x128xf32, #tpu.memory_space<vmem_shared>>) target_semaphore(%run_scoped3A : memref<!tpu.dma_semaphore, #tpu.memory_space<semaphore_mem>>)
        %dma_wait3A = arith.constant 0 : i32
        %dma_wait3A_30 = tpu.memref_slice %arg12[%mul3A_26, %dma_wait3A] : memref<10000x128xf32, #tpu.memory_space<vmem_shared>> -> memref<624x128xf32, #tpu.memory_space<vmem_shared>>
        %dma_wait3A_31 = arith.constant 0 : i32
        %dma_wait3A_32 = tpu.memref_slice %arg6[%mul3A_24, %dma_wait3A_31] : memref<10000x128xf32, #tpu.memory_space<hbm>> -> memref<624x128xf32, #tpu.memory_space<hbm>>
        tpu.wait_dma2 semaphore(%run_scoped3A : memref<!tpu.dma_semaphore, #tpu.memory_space<semaphore_mem>>) src(%dma_wait3A_32 : memref<624x128xf32, #tpu.memory_space<hbm>>) dst(%dma_wait3A_30 : memref<624x128xf32, #tpu.memory_space<vmem_shared>>)
        tpu.yield
      }) : () -> ()
    } else {
    }
    %eq3A = arith.constant 15 : i32
    %eq3A_3 = arith.cmpi eq, %arg1, %eq3A : i32
    %convert_element_type3A_4 = arith.extui %eq3A_3 : i1 to i32
    %cond3A_5 = arith.constant 0 : i32
    %cond3A_6 = arith.cmpi ne, %convert_element_type3A_4, %cond3A_5 : i32
    scf.if %cond3A_6 {
      "tpu.region"() ({
        %run_scoped3A = tpu.sem_alloc : memref<!tpu.dma_semaphore, #tpu.memory_space<semaphore_mem>>
        %dma_start3A = arith.constant 9360 : i32
        %dma_start3A_23 = arith.constant 0 : i32
        %dma_start3A_24 = tpu.memref_slice %arg12[%dma_start3A, %dma_start3A_23] : memref<10000x128xf32, #tpu.memory_space<vmem_shared>> -> memref<640x128xf32, #tpu.memory_space<vmem_shared>>
        %dma_start3A_25 = arith.constant 9360 : i32
        %dma_start3A_26 = arith.constant 0 : i32
        %dma_start3A_27 = tpu.memref_slice %arg6[%dma_start3A_25, %dma_start3A_26] : memref<10000x128xf32, #tpu.memory_space<hbm>> -> memref<640x128xf32, #tpu.memory_space<hbm>>
        tpu.enqueue_dma source(%dma_start3A_27 : memref<640x128xf32, #tpu.memory_space<hbm>>) target(%dma_start3A_24 : memref<640x128xf32, #tpu.memory_space<vmem_shared>>) target_semaphore(%run_scoped3A : memref<!tpu.dma_semaphore, #tpu.memory_space<semaphore_mem>>)
        %dma_wait3A = arith.constant 9360 : i32
        %dma_wait3A_28 = arith.constant 0 : i32
        %dma_wait3A_29 = tpu.memref_slice %arg12[%dma_wait3A, %dma_wait3A_28] : memref<10000x128xf32, #tpu.memory_space<vmem_shared>> -> memref<640x128xf32, #tpu.memory_space<vmem_shared>>
        %dma_wait3A_30 = arith.constant 9360 : i32
        %dma_wait3A_31 = arith.constant 0 : i32
        %dma_wait3A_32 = tpu.memref_slice %arg6[%dma_wait3A_30, %dma_wait3A_31] : memref<10000x128xf32, #tpu.memory_space<hbm>> -> memref<640x128xf32, #tpu.memory_space<hbm>>
        tpu.wait_dma2 semaphore(%run_scoped3A : memref<!tpu.dma_semaphore, #tpu.memory_space<semaphore_mem>>) src(%dma_wait3A_32 : memref<640x128xf32, #tpu.memory_space<hbm>>) dst(%dma_wait3A_29 : memref<640x128xf32, #tpu.memory_space<vmem_shared>>)
        tpu.yield
      }) : () -> ()
    } else {
    }
    %barrier3A = arith.constant 0 : index
    tpu.barrier barrier_id(%barrier3A)
    %scan3A = arith.constant 0 : i32
    %scan3A_7 = arith.constant 0 : i32
    %scan3A_8 = arith.constant 5 : i32
    %scan3A_9 = arith.addi %scan3A_7, %scan3A_8 : i32
    %scan3A_10 = arith.constant 1 : i32
    scf.for %scan3A_23 = %scan3A_7 to %scan3A_9 step %scan3A_10  : i32 {
      "tpu.region"() ({
        %run_scoped3A = tpu.sem_alloc : memref<!tpu.dma_semaphore, #tpu.memory_space<semaphore_mem>>
        %dma_start3A = arith.constant 0 : i32
        %dma_start3A_30 = arith.constant 0 : i32
        %dma_start3A_31 = tpu.memref_slice %arg4[%add3A, %scan3A_23, %dma_start3A, %dma_start3A_30] : memref<32x5x25x80xi32, #tpu.memory_space<hbm>> -> memref<1x1x25x80xi32, #tpu.memory_space<hbm>>
        %dma_start3A_32 = tpu.memref_squeeze %dma_start3A_31 : memref<1x1x25x80xi32, #tpu.memory_space<hbm>> -> memref<25x80xi32, #tpu.memory_space<hbm>>
        %dma_start3A_33 = arith.constant 0 : i32
        %dma_start3A_34 = arith.constant 0 : i32
        %dma_start3A_35 = tpu.memref_slice %arg4[%add3A, %scan3A_23, %dma_start3A_33, %dma_start3A_34] : memref<32x5x25x80xi32, #tpu.memory_space<hbm>> -> memref<1x1x25x80xi32, #tpu.memory_space<hbm>>
        %dma_start3A_36 = tpu.memref_squeeze %dma_start3A_35 : memref<1x1x25x80xi32, #tpu.memory_space<hbm>> -> memref<25x80xi32, #tpu.memory_space<hbm>>
        tpu.enqueue_dma source(%dma_start3A_36 : memref<25x80xi32, #tpu.memory_space<hbm>>) target(%arg8 : memref<25x80xi32, #tpu.memory_space<vmem>>) target_semaphore(%run_scoped3A : memref<!tpu.dma_semaphore, #tpu.memory_space<semaphore_mem>>)
        %dma_wait3A = arith.constant 0 : i32
        %dma_wait3A_37 = arith.constant 0 : i32
        %dma_wait3A_38 = tpu.memref_slice %arg4[%add3A, %scan3A_23, %dma_wait3A, %dma_wait3A_37] : memref<32x5x25x80xi32, #tpu.memory_space<hbm>> -> memref<1x1x25x80xi32, #tpu.memory_space<hbm>>
        %dma_wait3A_39 = tpu.memref_squeeze %dma_wait3A_38 : memref<1x1x25x80xi32, #tpu.memory_space<hbm>> -> memref<25x80xi32, #tpu.memory_space<hbm>>
        %dma_wait3A_40 = arith.constant 0 : i32
        %dma_wait3A_41 = arith.constant 0 : i32
        %dma_wait3A_42 = tpu.memref_slice %arg4[%add3A, %scan3A_23, %dma_wait3A_40, %dma_wait3A_41] : memref<32x5x25x80xi32, #tpu.memory_space<hbm>> -> memref<1x1x25x80xi32, #tpu.memory_space<hbm>>
        %dma_wait3A_43 = tpu.memref_squeeze %dma_wait3A_42 : memref<1x1x25x80xi32, #tpu.memory_space<hbm>> -> memref<25x80xi32, #tpu.memory_space<hbm>>
        tpu.wait_dma2 semaphore(%run_scoped3A : memref<!tpu.dma_semaphore, #tpu.memory_space<semaphore_mem>>) src(%dma_wait3A_43 : memref<25x80xi32, #tpu.memory_space<hbm>>) dst(%arg8 : memref<25x80xi32, #tpu.memory_space<vmem>>)
        tpu.yield
      }) : () -> ()
      "tpu.region"() ({
        %run_scoped3A = tpu.sem_alloc : memref<!tpu.dma_semaphore, #tpu.memory_space<semaphore_mem>>
        %dma_start3A = arith.constant 0 : i32
        %dma_start3A_30 = arith.constant 0 : i32
        %dma_start3A_31 = tpu.memref_slice %arg5[%add3A, %scan3A_23, %dma_start3A, %dma_start3A_30] : memref<32x5x25x80xi32, #tpu.memory_space<hbm>> -> memref<1x1x25x80xi32, #tpu.memory_space<hbm>>
        %dma_start3A_32 = tpu.memref_squeeze %dma_start3A_31 : memref<1x1x25x80xi32, #tpu.memory_space<hbm>> -> memref<25x80xi32, #tpu.memory_space<hbm>>
        %dma_start3A_33 = arith.constant 0 : i32
        %dma_start3A_34 = arith.constant 0 : i32
        %dma_start3A_35 = tpu.memref_slice %arg5[%add3A, %scan3A_23, %dma_start3A_33, %dma_start3A_34] : memref<32x5x25x80xi32, #tpu.memory_space<hbm>> -> memref<1x1x25x80xi32, #tpu.memory_space<hbm>>
        %dma_start3A_36 = tpu.memref_squeeze %dma_start3A_35 : memref<1x1x25x80xi32, #tpu.memory_space<hbm>> -> memref<25x80xi32, #tpu.memory_space<hbm>>
        tpu.enqueue_dma source(%dma_start3A_36 : memref<25x80xi32, #tpu.memory_space<hbm>>) target(%arg9 : memref<25x80xi32, #tpu.memory_space<vmem>>) target_semaphore(%run_scoped3A : memref<!tpu.dma_semaphore, #tpu.memory_space<semaphore_mem>>)
        %dma_wait3A = arith.constant 0 : i32
        %dma_wait3A_37 = arith.constant 0 : i32
        %dma_wait3A_38 = tpu.memref_slice %arg5[%add3A, %scan3A_23, %dma_wait3A, %dma_wait3A_37] : memref<32x5x25x80xi32, #tpu.memory_space<hbm>> -> memref<1x1x25x80xi32, #tpu.memory_space<hbm>>
        %dma_wait3A_39 = tpu.memref_squeeze %dma_wait3A_38 : memref<1x1x25x80xi32, #tpu.memory_space<hbm>> -> memref<25x80xi32, #tpu.memory_space<hbm>>
        %dma_wait3A_40 = arith.constant 0 : i32
        %dma_wait3A_41 = arith.constant 0 : i32
        %dma_wait3A_42 = tpu.memref_slice %arg5[%add3A, %scan3A_23, %dma_wait3A_40, %dma_wait3A_41] : memref<32x5x25x80xi32, #tpu.memory_space<hbm>> -> memref<1x1x25x80xi32, #tpu.memory_space<hbm>>
        %dma_wait3A_43 = tpu.memref_squeeze %dma_wait3A_42 : memref<1x1x25x80xi32, #tpu.memory_space<hbm>> -> memref<25x80xi32, #tpu.memory_space<hbm>>
        tpu.wait_dma2 semaphore(%run_scoped3A : memref<!tpu.dma_semaphore, #tpu.memory_space<semaphore_mem>>) src(%dma_wait3A_43 : memref<25x80xi32, #tpu.memory_space<hbm>>) dst(%arg9 : memref<25x80xi32, #tpu.memory_space<vmem>>)
        tpu.yield
      }) : () -> ()
      %scan3A_24 = arith.constant 0 : i32
      %scan3A_25 = arith.constant 0 : i32
      %scan3A_26 = arith.constant 25 : i32
      %scan3A_27 = arith.addi %scan3A_25, %scan3A_26 : i32
      %scan3A_28 = arith.constant 1 : i32
      scf.for %scan3A_30 = %scan3A_25 to %scan3A_27 step %scan3A_28  : i32 {
        %mul3A_31 = arith.constant 10000 : i32
        %mul3A_32 = arith.muli %add3A, %mul3A_31 : i32
        %mul3A_33 = arith.constant 25 : i32
        %mul3A_34 = arith.muli %scan3A_23, %mul3A_33 : i32
        %add3A_35 = arith.addi %mul3A_34, %scan3A_30 : i32
        %mul3A_36 = arith.constant 80 : i32
        %mul3A_37 = arith.muli %add3A_35, %mul3A_36 : i32
        %add3A_38 = arith.addi %mul3A_32, %mul3A_37 : i32
        %dma_start3A = arith.constant 0 : i32
        %dma_start3A_39 = tpu.memref_slice %arg8[%scan3A_30, %dma_start3A] : memref<25x80xi32, #tpu.memory_space<vmem>> -> memref<1x80xi32, #tpu.memory_space<vmem>>
        %dma_start3A_40 = tpu.memref_squeeze %dma_start3A_39 : memref<1x80xi32, #tpu.memory_space<vmem>> -> memref<80xi32, #tpu.memory_space<vmem>>
        %dma_start3A_41 = arith.constant 0 : i32
        %dma_start3A_42 = arith.constant 0 : i32
        %dma_start3A_43 = tpu.memref_slice %arg2[%dma_start3A_41, %dma_start3A_42] : memref<10000x128xf32, #tpu.memory_space<hbm>> -> memref<10000x128xf32, #tpu.memory_space<hbm>>
        tpu.enqueue_indirect_dma source(%dma_start3A_43 : memref<10000x128xf32, #tpu.memory_space<hbm>>) target(%arg10 : memref<80x128xf32, #tpu.memory_space<vmem>>) offsets(%dma_start3A_40 : memref<80xi32, #tpu.memory_space<vmem>>) semaphore(%arg13 : memref<!tpu.dma_semaphore, #tpu.memory_space<semaphore_mem>>)
        "tpu.region"() ({
          %run_scoped3A = tpu.sem_alloc : memref<!tpu.dma_semaphore, #tpu.memory_space<semaphore_mem>>
          %dma_start3A_55 = arith.constant 0 : i32
          %dma_start3A_56 = tpu.memref_slice %arg3[%add3A_38, %dma_start3A_55] : memref<320000x128xf32, #tpu.memory_space<hbm>> -> memref<80x128xf32, #tpu.memory_space<hbm>>
          %dma_start3A_57 = arith.constant 0 : i32
          %dma_start3A_58 = tpu.memref_slice %arg3[%add3A_38, %dma_start3A_57] : memref<320000x128xf32, #tpu.memory_space<hbm>> -> memref<80x128xf32, #tpu.memory_space<hbm>>
          tpu.enqueue_dma source(%dma_start3A_58 : memref<80x128xf32, #tpu.memory_space<hbm>>) target(%arg11 : memref<80x128xf32, #tpu.memory_space<vmem>>) target_semaphore(%run_scoped3A : memref<!tpu.dma_semaphore, #tpu.memory_space<semaphore_mem>>)
          %dma_wait3A_59 = arith.constant 0 : i32
          %dma_wait3A_60 = tpu.memref_slice %arg3[%add3A_38, %dma_wait3A_59] : memref<320000x128xf32, #tpu.memory_space<hbm>> -> memref<80x128xf32, #tpu.memory_space<hbm>>
          %dma_wait3A_61 = arith.constant 0 : i32
          %dma_wait3A_62 = tpu.memref_slice %arg3[%add3A_38, %dma_wait3A_61] : memref<320000x128xf32, #tpu.memory_space<hbm>> -> memref<80x128xf32, #tpu.memory_space<hbm>>
          tpu.wait_dma2 semaphore(%run_scoped3A : memref<!tpu.dma_semaphore, #tpu.memory_space<semaphore_mem>>) src(%dma_wait3A_62 : memref<80x128xf32, #tpu.memory_space<hbm>>) dst(%arg11 : memref<80x128xf32, #tpu.memory_space<vmem>>)
          tpu.yield
        }) : () -> ()
        %dma_wait3A = arith.constant 0 : i32
        %dma_wait3A_44 = tpu.memref_slice %arg8[%scan3A_30, %dma_wait3A] : memref<25x80xi32, #tpu.memory_space<vmem>> -> memref<1x80xi32, #tpu.memory_space<vmem>>
        %dma_wait3A_45 = tpu.memref_squeeze %dma_wait3A_44 : memref<1x80xi32, #tpu.memory_space<vmem>> -> memref<80xi32, #tpu.memory_space<vmem>>
        %dma_wait3A_46 = arith.constant 0 : i32
        %dma_wait3A_47 = arith.constant 0 : i32
        %dma_wait3A_48 = tpu.memref_slice %arg2[%dma_wait3A_46, %dma_wait3A_47] : memref<10000x128xf32, #tpu.memory_space<hbm>> -> memref<10000x128xf32, #tpu.memory_space<hbm>>
        tpu.wait_indirect_dma semaphore(%arg13 : memref<!tpu.dma_semaphore, #tpu.memory_space<semaphore_mem>>) src(%dma_wait3A_48 : memref<10000x128xf32, #tpu.memory_space<hbm>>) dst(%arg10 : memref<80x128xf32, #tpu.memory_space<vmem>>)
        %scan3A_49 = arith.constant 0 : i32
        %scan3A_50 = arith.constant 0 : i32
        %scan3A_51 = arith.constant 80 : i32
        %scan3A_52 = arith.addi %scan3A_50, %scan3A_51 : i32
        %scan3A_53 = arith.constant 1 : i32
        scf.for %scan3A_55 = %scan3A_50 to %scan3A_52 step %scan3A_53  : i32 {
          %get3A = arith.index_cast %scan3A_55 : i32 to index
          %get3A_56 = arith.constant 0 : index
          %get3A_57 = tpu.vector_load %arg11[%get3A, %get3A_56] {strides = array<i32>} : memref<80x128xf32, #tpu.memory_space<vmem>>, vector<1x16xf32>,
          %get3A_58 = vector.shape_cast %get3A_57 : vector<1x16xf32> to vector<16xf32>
          %get3A_59 = arith.index_cast %scan3A_55 : i32 to index
          %get3A_60 = arith.constant 0 : index
          %get3A_61 = tpu.vector_load %arg10[%get3A_59, %get3A_60] {strides = array<i32>} : memref<80x128xf32, #tpu.memory_space<vmem>>, vector<1x16xf32>,
          %get3A_62 = vector.shape_cast %get3A_61 : vector<1x16xf32> to vector<16xf32>
          %add3A_63 = arith.addf %get3A_58, %get3A_62 : vector<16xf32>
          %max3A = arith.constant 0.000000e+00 : f32
          %max3A_64 = vector.broadcast %max3A : f32 to vector<16xf32>
          %max3A_65 = arith.maximumf %add3A_63, %max3A_64 : vector<16xf32>
          %swap3A = arith.index_cast %scan3A_55 : i32 to index
          %swap3A_66 = arith.constant 0 : index
          %swap3A_67 = tpu.vector_load %arg11[%swap3A, %swap3A_66] {strides = array<i32>} : memref<80x128xf32, #tpu.memory_space<vmem>>, vector<1x16xf32>,
          %swap3A_68 = vector.shape_cast %swap3A_67 : vector<1x16xf32> to vector<16xf32>
          %swap3A_69 = vector.shape_cast %max3A_65 : vector<16xf32> to vector<1x16xf32>
          tpu.vector_store %arg11[%swap3A, %swap3A_66], %swap3A_69 {strides = array<i32>} : memref<80x128xf32, #tpu.memory_space<vmem>>, vector<1x16xf32>,
          %get3A_70 = arith.index_cast %scan3A_55 : i32 to index
          %get3A_71 = arith.constant 16 : index
          %get3A_72 = tpu.vector_load %arg11[%get3A_70, %get3A_71] {strides = array<i32>} : memref<80x128xf32, #tpu.memory_space<vmem>>, vector<1x16xf32>,
          %get3A_73 = vector.shape_cast %get3A_72 : vector<1x16xf32> to vector<16xf32>
          %get3A_74 = arith.index_cast %scan3A_55 : i32 to index
          %get3A_75 = arith.constant 16 : index
          %get3A_76 = tpu.vector_load %arg10[%get3A_74, %get3A_75] {strides = array<i32>} : memref<80x128xf32, #tpu.memory_space<vmem>>, vector<1x16xf32>,
          %get3A_77 = vector.shape_cast %get3A_76 : vector<1x16xf32> to vector<16xf32>
          %add3A_78 = arith.addf %get3A_73, %get3A_77 : vector<16xf32>
          %max3A_79 = arith.constant 0.000000e+00 : f32
          %max3A_80 = vector.broadcast %max3A_79 : f32 to vector<16xf32>
          %max3A_81 = arith.maximumf %add3A_78, %max3A_80 : vector<16xf32>
          %swap3A_82 = arith.index_cast %scan3A_55 : i32 to index
          %swap3A_83 = arith.constant 16 : index
          %swap3A_84 = tpu.vector_load %arg11[%swap3A_82, %swap3A_83] {strides = array<i32>} : memref<80x128xf32, #tpu.memory_space<vmem>>, vector<1x16xf32>,
          %swap3A_85 = vector.shape_cast %swap3A_84 : vector<1x16xf32> to vector<16xf32>
          %swap3A_86 = vector.shape_cast %max3A_81 : vector<16xf32> to vector<1x16xf32>
          tpu.vector_store %arg11[%swap3A_82, %swap3A_83], %swap3A_86 {strides = array<i32>} : memref<80x128xf32, #tpu.memory_space<vmem>>, vector<1x16xf32>,
          %get3A_87 = arith.index_cast %scan3A_55 : i32 to index
          %get3A_88 = arith.constant 32 : index
          %get3A_89 = tpu.vector_load %arg11[%get3A_87, %get3A_88] {strides = array<i32>} : memref<80x128xf32, #tpu.memory_space<vmem>>, vector<1x16xf32>,
          %get3A_90 = vector.shape_cast %get3A_89 : vector<1x16xf32> to vector<16xf32>
          %get3A_91 = arith.index_cast %scan3A_55 : i32 to index
          %get3A_92 = arith.constant 32 : index
          %get3A_93 = tpu.vector_load %arg10[%get3A_91, %get3A_92] {strides = array<i32>} : memref<80x128xf32, #tpu.memory_space<vmem>>, vector<1x16xf32>,
          %get3A_94 = vector.shape_cast %get3A_93 : vector<1x16xf32> to vector<16xf32>
          %add3A_95 = arith.addf %get3A_90, %get3A_94 : vector<16xf32>
          %max3A_96 = arith.constant 0.000000e+00 : f32
          %max3A_97 = vector.broadcast %max3A_96 : f32 to vector<16xf32>
          %max3A_98 = arith.maximumf %add3A_95, %max3A_97 : vector<16xf32>
          %swap3A_99 = arith.index_cast %scan3A_55 : i32 to index
          %swap3A_100 = arith.constant 32 : index
          %swap3A_101 = tpu.vector_load %arg11[%swap3A_99, %swap3A_100] {strides = array<i32>} : memref<80x128xf32, #tpu.memory_space<vmem>>, vector<1x16xf32>,
          %swap3A_102 = vector.shape_cast %swap3A_101 : vector<1x16xf32> to vector<16xf32>
          %swap3A_103 = vector.shape_cast %max3A_98 : vector<16xf32> to vector<1x16xf32>
          tpu.vector_store %arg11[%swap3A_99, %swap3A_100], %swap3A_103 {strides = array<i32>} : memref<80x128xf32, #tpu.memory_space<vmem>>, vector<1x16xf32>,
          %get3A_104 = arith.index_cast %scan3A_55 : i32 to index
          %get3A_105 = arith.constant 48 : index
          %get3A_106 = tpu.vector_load %arg11[%get3A_104, %get3A_105] {strides = array<i32>} : memref<80x128xf32, #tpu.memory_space<vmem>>, vector<1x16xf32>,
          %get3A_107 = vector.shape_cast %get3A_106 : vector<1x16xf32> to vector<16xf32>
          %get3A_108 = arith.index_cast %scan3A_55 : i32 to index
          %get3A_109 = arith.constant 48 : index
          %get3A_110 = tpu.vector_load %arg10[%get3A_108, %get3A_109] {strides = array<i32>} : memref<80x128xf32, #tpu.memory_space<vmem>>, vector<1x16xf32>,
          %get3A_111 = vector.shape_cast %get3A_110 : vector<1x16xf32> to vector<16xf32>
          %add3A_112 = arith.addf %get3A_107, %get3A_111 : vector<16xf32>
          %max3A_113 = arith.constant 0.000000e+00 : f32
          %max3A_114 = vector.broadcast %max3A_113 : f32 to vector<16xf32>
          %max3A_115 = arith.maximumf %add3A_112, %max3A_114 : vector<16xf32>
          %swap3A_116 = arith.index_cast %scan3A_55 : i32 to index
          %swap3A_117 = arith.constant 48 : index
          %swap3A_118 = tpu.vector_load %arg11[%swap3A_116, %swap3A_117] {strides = array<i32>} : memref<80x128xf32, #tpu.memory_space<vmem>>, vector<1x16xf32>,
          %swap3A_119 = vector.shape_cast %swap3A_118 : vector<1x16xf32> to vector<16xf32>
          %swap3A_120 = vector.shape_cast %max3A_115 : vector<16xf32> to vector<1x16xf32>
          tpu.vector_store %arg11[%swap3A_116, %swap3A_117], %swap3A_120 {strides = array<i32>} : memref<80x128xf32, #tpu.memory_space<vmem>>, vector<1x16xf32>,
          %get3A_121 = arith.index_cast %scan3A_55 : i32 to index
          %get3A_122 = arith.constant 64 : index
          %get3A_123 = tpu.vector_load %arg11[%get3A_121, %get3A_122] {strides = array<i32>} : memref<80x128xf32, #tpu.memory_space<vmem>>, vector<1x16xf32>,
          %get3A_124 = vector.shape_cast %get3A_123 : vector<1x16xf32> to vector<16xf32>
          %get3A_125 = arith.index_cast %scan3A_55 : i32 to index
          %get3A_126 = arith.constant 64 : index
          %get3A_127 = tpu.vector_load %arg10[%get3A_125, %get3A_126] {strides = array<i32>} : memref<80x128xf32, #tpu.memory_space<vmem>>, vector<1x16xf32>,
          %get3A_128 = vector.shape_cast %get3A_127 : vector<1x16xf32> to vector<16xf32>
          %add3A_129 = arith.addf %get3A_124, %get3A_128 : vector<16xf32>
          %max3A_130 = arith.constant 0.000000e+00 : f32
          %max3A_131 = vector.broadcast %max3A_130 : f32 to vector<16xf32>
          %max3A_132 = arith.maximumf %add3A_129, %max3A_131 : vector<16xf32>
          %swap3A_133 = arith.index_cast %scan3A_55 : i32 to index
          %swap3A_134 = arith.constant 64 : index
          %swap3A_135 = tpu.vector_load %arg11[%swap3A_133, %swap3A_134] {strides = array<i32>} : memref<80x128xf32, #tpu.memory_space<vmem>>, vector<1x16xf32>,
          %swap3A_136 = vector.shape_cast %swap3A_135 : vector<1x16xf32> to vector<16xf32>
          %swap3A_137 = vector.shape_cast %max3A_132 : vector<16xf32> to vector<1x16xf32>
          tpu.vector_store %arg11[%swap3A_133, %swap3A_134], %swap3A_137 {strides = array<i32>} : memref<80x128xf32, #tpu.memory_space<vmem>>, vector<1x16xf32>,
          %get3A_138 = arith.index_cast %scan3A_55 : i32 to index
          %get3A_139 = arith.constant 80 : index
          %get3A_140 = tpu.vector_load %arg11[%get3A_138, %get3A_139] {strides = array<i32>} : memref<80x128xf32, #tpu.memory_space<vmem>>, vector<1x16xf32>,
          %get3A_141 = vector.shape_cast %get3A_140 : vector<1x16xf32> to vector<16xf32>
          %get3A_142 = arith.index_cast %scan3A_55 : i32 to index
          %get3A_143 = arith.constant 80 : index
          %get3A_144 = tpu.vector_load %arg10[%get3A_142, %get3A_143] {strides = array<i32>} : memref<80x128xf32, #tpu.memory_space<vmem>>, vector<1x16xf32>,
          %get3A_145 = vector.shape_cast %get3A_144 : vector<1x16xf32> to vector<16xf32>
          %add3A_146 = arith.addf %get3A_141, %get3A_145 : vector<16xf32>
          %max3A_147 = arith.constant 0.000000e+00 : f32
          %max3A_148 = vector.broadcast %max3A_147 : f32 to vector<16xf32>
          %max3A_149 = arith.maximumf %add3A_146, %max3A_148 : vector<16xf32>
          %swap3A_150 = arith.index_cast %scan3A_55 : i32 to index
          %swap3A_151 = arith.constant 80 : index
          %swap3A_152 = tpu.vector_load %arg11[%swap3A_150, %swap3A_151] {strides = array<i32>} : memref<80x128xf32, #tpu.memory_space<vmem>>, vector<1x16xf32>,
          %swap3A_153 = vector.shape_cast %swap3A_152 : vector<1x16xf32> to vector<16xf32>
          %swap3A_154 = vector.shape_cast %max3A_149 : vector<16xf32> to vector<1x16xf32>
          tpu.vector_store %arg11[%swap3A_150, %swap3A_151], %swap3A_154 {strides = array<i32>} : memref<80x128xf32, #tpu.memory_space<vmem>>, vector<1x16xf32>,
          %get3A_155 = arith.index_cast %scan3A_55 : i32 to index
          %get3A_156 = arith.constant 96 : index
          %get3A_157 = tpu.vector_load %arg11[%get3A_155, %get3A_156] {strides = array<i32>} : memref<80x128xf32, #tpu.memory_space<vmem>>, vector<1x16xf32>,
          %get3A_158 = vector.shape_cast %get3A_157 : vector<1x16xf32> to vector<16xf32>
          %get3A_159 = arith.index_cast %scan3A_55 : i32 to index
          %get3A_160 = arith.constant 96 : index
          %get3A_161 = tpu.vector_load %arg10[%get3A_159, %get3A_160] {strides = array<i32>} : memref<80x128xf32, #tpu.memory_space<vmem>>, vector<1x16xf32>,
          %get3A_162 = vector.shape_cast %get3A_161 : vector<1x16xf32> to vector<16xf32>
          %add3A_163 = arith.addf %get3A_158, %get3A_162 : vector<16xf32>
          %max3A_164 = arith.constant 0.000000e+00 : f32
          %max3A_165 = vector.broadcast %max3A_164 : f32 to vector<16xf32>
          %max3A_166 = arith.maximumf %add3A_163, %max3A_165 : vector<16xf32>
          %swap3A_167 = arith.index_cast %scan3A_55 : i32 to index
          %swap3A_168 = arith.constant 96 : index
          %swap3A_169 = tpu.vector_load %arg11[%swap3A_167, %swap3A_168] {strides = array<i32>} : memref<80x128xf32, #tpu.memory_space<vmem>>, vector<1x16xf32>,
          %swap3A_170 = vector.shape_cast %swap3A_169 : vector<1x16xf32> to vector<16xf32>
          %swap3A_171 = vector.shape_cast %max3A_166 : vector<16xf32> to vector<1x16xf32>
          tpu.vector_store %arg11[%swap3A_167, %swap3A_168], %swap3A_171 {strides = array<i32>} : memref<80x128xf32, #tpu.memory_space<vmem>>, vector<1x16xf32>,
          %get3A_172 = arith.index_cast %scan3A_55 : i32 to index
          %get3A_173 = arith.constant 112 : index
          %get3A_174 = tpu.vector_load %arg11[%get3A_172, %get3A_173] {strides = array<i32>} : memref<80x128xf32, #tpu.memory_space<vmem>>, vector<1x16xf32>,
          %get3A_175 = vector.shape_cast %get3A_174 : vector<1x16xf32> to vector<16xf32>
          %get3A_176 = arith.index_cast %scan3A_55 : i32 to index
          %get3A_177 = arith.constant 112 : index
          %get3A_178 = tpu.vector_load %arg10[%get3A_176, %get3A_177] {strides = array<i32>} : memref<80x128xf32, #tpu.memory_space<vmem>>, vector<1x16xf32>,
          %get3A_179 = vector.shape_cast %get3A_178 : vector<1x16xf32> to vector<16xf32>
          %add3A_180 = arith.addf %get3A_175, %get3A_179 : vector<16xf32>
          %max3A_181 = arith.constant 0.000000e+00 : f32
          %max3A_182 = vector.broadcast %max3A_181 : f32 to vector<16xf32>
          %max3A_183 = arith.maximumf %add3A_180, %max3A_182 : vector<16xf32>
          %swap3A_184 = arith.index_cast %scan3A_55 : i32 to index
          %swap3A_185 = arith.constant 112 : index
          %swap3A_186 = tpu.vector_load %arg11[%swap3A_184, %swap3A_185] {strides = array<i32>} : memref<80x128xf32, #tpu.memory_space<vmem>>, vector<1x16xf32>,
          %swap3A_187 = vector.shape_cast %swap3A_186 : vector<1x16xf32> to vector<16xf32>
          %swap3A_188 = vector.shape_cast %max3A_183 : vector<16xf32> to vector<1x16xf32>
          tpu.vector_store %arg11[%swap3A_184, %swap3A_185], %swap3A_188 {strides = array<i32>} : memref<80x128xf32, #tpu.memory_space<vmem>>, vector<1x16xf32>,
        }
        %scan3A_54 = arith.constant 80 : i32
        "tpu.region"() ({
          %run_scoped3A = tpu.sem_alloc : memref<!tpu.dma_semaphore, #tpu.memory_space<semaphore_mem>>
          %dma_start3A_55 = arith.constant 0 : i32
          %dma_start3A_56 = tpu.memref_slice %arg9[%scan3A_30, %dma_start3A_55] : memref<25x80xi32, #tpu.memory_space<vmem>> -> memref<1x80xi32, #tpu.memory_space<vmem>>
          %dma_start3A_57 = tpu.memref_squeeze %dma_start3A_56 : memref<1x80xi32, #tpu.memory_space<vmem>> -> memref<80xi32, #tpu.memory_space<vmem>>
          %dma_start3A_58 = arith.constant 0 : i32
          %dma_start3A_59 = arith.constant 0 : i32
          %dma_start3A_60 = tpu.memref_slice %arg12[%dma_start3A_58, %dma_start3A_59] : memref<10000x128xf32, #tpu.memory_space<vmem_shared>> -> memref<10000x128xf32, #tpu.memory_space<vmem_shared>>
          tpu.enqueue_indirect_dma source(%arg11 : memref<80x128xf32, #tpu.memory_space<vmem>>) target(%dma_start3A_60 : memref<10000x128xf32, #tpu.memory_space<vmem_shared>>) offsets(%dma_start3A_57 : memref<80xi32, #tpu.memory_space<vmem>>) semaphore(%run_scoped3A : memref<!tpu.dma_semaphore, #tpu.memory_space<semaphore_mem>>) {add = true}
          %dma_wait3A_61 = arith.constant 0 : i32
          %dma_wait3A_62 = tpu.memref_slice %arg9[%scan3A_30, %dma_wait3A_61] : memref<25x80xi32, #tpu.memory_space<vmem>> -> memref<1x80xi32, #tpu.memory_space<vmem>>
          %dma_wait3A_63 = tpu.memref_squeeze %dma_wait3A_62 : memref<1x80xi32, #tpu.memory_space<vmem>> -> memref<80xi32, #tpu.memory_space<vmem>>
          %dma_wait3A_64 = arith.constant 0 : i32
          %dma_wait3A_65 = arith.constant 0 : i32
          %dma_wait3A_66 = tpu.memref_slice %arg12[%dma_wait3A_64, %dma_wait3A_65] : memref<10000x128xf32, #tpu.memory_space<vmem_shared>> -> memref<10000x128xf32, #tpu.memory_space<vmem_shared>>
          tpu.wait_indirect_dma semaphore(%run_scoped3A : memref<!tpu.dma_semaphore, #tpu.memory_space<semaphore_mem>>) src(%arg11 : memref<80x128xf32, #tpu.memory_space<vmem>>) dst(%dma_wait3A_66 : memref<10000x128xf32, #tpu.memory_space<vmem_shared>>)
          tpu.yield
        }) : () -> ()
      }
      %scan3A_29 = arith.constant 25 : i32
    }
    %scan3A_11 = arith.constant 5 : i32
    %barrier3A_12 = arith.constant 0 : index
    tpu.barrier barrier_id(%barrier3A_12)
    %lt3A_13 = arith.constant 15 : i32
    %lt3A_14 = arith.cmpi slt, %arg1, %lt3A_13 : i32
    %convert_element_type3A_15 = arith.extui %lt3A_14 : i1 to i32
    %cond3A_16 = arith.constant 0 : i32
    %cond3A_17 = arith.cmpi ne, %convert_element_type3A_15, %cond3A_16 : i32
    scf.if %cond3A_17 {
      %mul3A_23 = arith.constant 624 : i32
      %mul3A_24 = arith.muli %arg1, %mul3A_23 : i32
      %mul3A_25 = arith.constant 624 : i32
      %mul3A_26 = arith.muli %arg1, %mul3A_25 : i32
      "tpu.region"() ({
        %run_scoped3A = tpu.sem_alloc : memref<!tpu.dma_semaphore, #tpu.memory_space<semaphore_mem>>
        %dma_start3A = arith.constant 0 : i32
        %dma_start3A_27 = tpu.memref_slice %arg7[%arg0, %mul3A_26, %dma_start3A] : memref<2x10000x128xf32, #tpu.memory_space<hbm>> -> memref<1x624x128xf32, #tpu.memory_space<hbm>>
        %dma_start3A_28 = tpu.memref_squeeze %dma_start3A_27 : memref<1x624x128xf32, #tpu.memory_space<hbm>> -> memref<624x128xf32, #tpu.memory_space<hbm>>
        %dma_start3A_29 = arith.constant 0 : i32
        %dma_start3A_30 = tpu.memref_slice %arg12[%mul3A_24, %dma_start3A_29] : memref<10000x128xf32, #tpu.memory_space<vmem_shared>> -> memref<624x128xf32, #tpu.memory_space<vmem_shared>>
        tpu.enqueue_dma source(%dma_start3A_30 : memref<624x128xf32, #tpu.memory_space<vmem_shared>>) target(%dma_start3A_28 : memref<624x128xf32, #tpu.memory_space<hbm>>) target_semaphore(%run_scoped3A : memref<!tpu.dma_semaphore, #tpu.memory_space<semaphore_mem>>)
        %dma_wait3A = arith.constant 0 : i32
        %dma_wait3A_31 = tpu.memref_slice %arg7[%arg0, %mul3A_26, %dma_wait3A] : memref<2x10000x128xf32, #tpu.memory_space<hbm>> -> memref<1x624x128xf32, #tpu.memory_space<hbm>>
        %dma_wait3A_32 = tpu.memref_squeeze %dma_wait3A_31 : memref<1x624x128xf32, #tpu.memory_space<hbm>> -> memref<624x128xf32, #tpu.memory_space<hbm>>
        %dma_wait3A_33 = arith.constant 0 : i32
        %dma_wait3A_34 = tpu.memref_slice %arg12[%mul3A_24, %dma_wait3A_33] : memref<10000x128xf32, #tpu.memory_space<vmem_shared>> -> memref<624x128xf32, #tpu.memory_space<vmem_shared>>
        tpu.wait_dma2 semaphore(%run_scoped3A : memref<!tpu.dma_semaphore, #tpu.memory_space<semaphore_mem>>) src(%dma_wait3A_34 : memref<624x128xf32, #tpu.memory_space<vmem_shared>>) dst(%dma_wait3A_32 : memref<624x128xf32, #tpu.memory_space<hbm>>)
        tpu.yield
      }) : () -> ()
    } else {
    }
    %eq3A_18 = arith.constant 15 : i32
    %eq3A_19 = arith.cmpi eq, %arg1, %eq3A_18 : i32
    %convert_element_type3A_20 = arith.extui %eq3A_19 : i1 to i32
    %cond3A_21 = arith.constant 0 : i32
    %cond3A_22 = arith.cmpi ne, %convert_element_type3A_20, %cond3A_21 : i32
    scf.if %cond3A_22 {
      "tpu.region"() ({
        %run_scoped3A = tpu.sem_alloc : memref<!tpu.dma_semaphore, #tpu.memory_space<semaphore_mem>>
        %dma_start3A = arith.constant 9360 : i32
        %dma_start3A_23 = arith.constant 0 : i32
        %dma_start3A_24 = tpu.memref_slice %arg7[%arg0, %dma_start3A, %dma_start3A_23] : memref<2x10000x128xf32, #tpu.memory_space<hbm>> -> memref<1x640x128xf32, #tpu.memory_space<hbm>>
        %dma_start3A_25 = tpu.memref_squeeze %dma_start3A_24 : memref<1x640x128xf32, #tpu.memory_space<hbm>> -> memref<640x128xf32, #tpu.memory_space<hbm>>
        %dma_start3A_26 = arith.constant 9360 : i32
        %dma_start3A_27 = arith.constant 0 : i32
        %dma_start3A_28 = tpu.memref_slice %arg12[%dma_start3A_26, %dma_start3A_27] : memref<10000x128xf32, #tpu.memory_space<vmem_shared>> -> memref<640x128xf32, #tpu.memory_space<vmem_shared>>
        tpu.enqueue_dma source(%dma_start3A_28 : memref<640x128xf32, #tpu.memory_space<vmem_shared>>) target(%dma_start3A_25 : memref<640x128xf32, #tpu.memory_space<hbm>>) target_semaphore(%run_scoped3A : memref<!tpu.dma_semaphore, #tpu.memory_space<semaphore_mem>>)
        %dma_wait3A = arith.constant 9360 : i32
        %dma_wait3A_29 = arith.constant 0 : i32
        %dma_wait3A_30 = tpu.memref_slice %arg7[%arg0, %dma_wait3A, %dma_wait3A_29] : memref<2x10000x128xf32, #tpu.memory_space<hbm>> -> memref<1x640x128xf32, #tpu.memory_space<hbm>>
        %dma_wait3A_31 = tpu.memref_squeeze %dma_wait3A_30 : memref<1x640x128xf32, #tpu.memory_space<hbm>> -> memref<640x128xf32, #tpu.memory_space<hbm>>
        %dma_wait3A_32 = arith.constant 9360 : i32
        %dma_wait3A_33 = arith.constant 0 : i32
        %dma_wait3A_34 = tpu.memref_slice %arg12[%dma_wait3A_32, %dma_wait3A_33] : memref<10000x128xf32, #tpu.memory_space<vmem_shared>> -> memref<640x128xf32, #tpu.memory_space<vmem_shared>>
        tpu.wait_dma2 semaphore(%run_scoped3A : memref<!tpu.dma_semaphore, #tpu.memory_space<semaphore_mem>>) src(%dma_wait3A_34 : memref<640x128xf32, #tpu.memory_space<vmem_shared>>) dst(%dma_wait3A_31 : memref<640x128xf32, #tpu.memory_space<hbm>>)
        tpu.yield
      }) : () -> ()
    } else {
    }
    return
  }
}

module attributes {stable_mosaic.version = 14 : i64} {
  func.func @_ee_block(%arg0: i32, %arg1: memref<2000x16xf32, #tpu.memory_space<vmem>>, %arg2: memref<16x128xf32, #tpu.memory_space<vmem>>, %arg3: memref<1x128xf32, #tpu.memory_space<vmem>>, %arg4: memref<2000x128xf32, #tpu.memory_space<vmem>>) attributes {dimension_semantics = [#tpu.dimension_semantics<arbitrary>], iteration_bounds = array<i64: 160>, scalar_prefetch = 0 : i64, scratch_operands = 0 : i64, tpu.core_type = #tpu.core_type<tc>, window_params = [{transform_indices = @transform_0, window_bounds = array<i64: 2000, 16>}, {pipeline_mode = #tpu.pipeline_mode<synchronous>, transform_indices = @transform_1, window_bounds = array<i64: 16, 128>}, {pipeline_mode = #tpu.pipeline_mode<synchronous>, transform_indices = @transform_2, window_bounds = array<i64: 1, 128>}, {transform_indices = @transform_3, window_bounds = array<i64: 2000, 128>}]} {
    %get3A = arith.constant 0 : index
    %get3A_0 = arith.constant 0 : index
    %get3A_1 = vector.load %arg1[%get3A, %get3A_0] : memref<2000x16xf32, #tpu.memory_space<vmem>>, vector<2000x16xf32>
    %get3A_2 = arith.constant 0 : index
    %get3A_3 = arith.constant 0 : index
    %get3A_4 = vector.load %arg2[%get3A_2, %get3A_3] : memref<16x128xf32, #tpu.memory_space<vmem>>, vector<16x128xf32>
    %dot_general3A = arith.constant dense<0.000000e+00> : vector<2000x128xf32>
    %dot_general3A_5 = tpu.matmul %get3A_1, %get3A_4, %dot_general3A {dimension_numbers = #tpu.dot_dimension_numbers<[1], [0], [0], [1], [0, 0, 1, 1], [], []>, transpose_lhs_hint = false} : vector<2000x16xf32>, vector<16x128xf32>, vector<2000x128xf32> -> vector<2000x128xf32>
    %get3A_6 = arith.constant 0 : index
    %get3A_7 = arith.constant 0 : index
    %get3A_8 = vector.load %arg3[%get3A_6, %get3A_7] : memref<1x128xf32, #tpu.memory_space<vmem>>, vector<1x128xf32>
    %add3A = vector.broadcast %get3A_8 : vector<1x128xf32> to vector<2000x128xf32>
    %add3A_9 = arith.addf %dot_general3A_5, %add3A : vector<2000x128xf32>
    %swap3A = arith.constant 0 : index
    %swap3A_10 = arith.constant 0 : index
    %swap3A_11 = vector.load %arg4[%swap3A, %swap3A_10] : memref<2000x128xf32, #tpu.memory_space<vmem>>, vector<2000x128xf32>
    tpu.vector_store %arg4[%swap3A, %swap3A_10], %add3A_9 {strides = array<i32>} : memref<2000x128xf32, #tpu.memory_space<vmem>>, vector<2000x128xf32>,
    return
  }
  func.func @transform_0(%arg0: i32) -> (i32, i32) {
    %c0_i32 = arith.constant 0 : i32
    %c0_i32_0 = arith.constant 0 : i32
    return %arg0, %c0_i32 : i32, i32
  }
  func.func @transform_1(%arg0: i32) -> (i32, i32) {
    %c0_i32 = arith.constant 0 : i32
    %c0_i32_0 = arith.constant 0 : i32
    %c0_i32_1 = arith.constant 0 : i32
    return %c0_i32, %c0_i32_0 : i32, i32
  }
  func.func @transform_2(%arg0: i32) -> (i32, i32) {
    %c0_i32 = arith.constant 0 : i32
    %c0_i32_0 = arith.constant 0 : i32
    %c0_i32_1 = arith.constant 0 : i32
    return %c0_i32, %c0_i32_0 : i32, i32
  }
  func.func @transform_3(%arg0: i32) -> (i32, i32) {
    %c0_i32 = arith.constant 0 : i32
    %c0_i32_0 = arith.constant 0 : i32
    return %arg0, %c0_i32 : i32, i32
  }
}

module attributes {stable_mosaic.version = 14 : i64} {
  func.func @_node_block(%arg0: memref<10000x128xf32, #tpu.memory_space<vmem>>, %arg1: memref<2x10000x128xf32, #tpu.memory_space<vmem>>, %arg2: memref<128x128xf32, #tpu.memory_space<vmem>>, %arg3: memref<1x128xf32, #tpu.memory_space<vmem>>, %arg4: memref<1x128xf32, #tpu.memory_space<vmem>>, %arg5: memref<1x128xf32, #tpu.memory_space<vmem>>, %arg6: memref<128x128xf32, #tpu.memory_space<vmem>>, %arg7: memref<1x128xf32, #tpu.memory_space<vmem>>, %arg8: memref<1x128xf32, #tpu.memory_space<vmem>>, %arg9: memref<1x128xf32, #tpu.memory_space<vmem>>, %arg10: memref<1x10000xi32, #tpu.memory_space<vmem>>, %arg11: memref<10000x128xf32, #tpu.memory_space<vmem>>, %arg12: memref<16x128xf32, #tpu.memory_space<vmem>>) attributes {dimension_semantics = [], scalar_prefetch = 0 : i64, scratch_operands = 0 : i64, tpu.core_type = #tpu.core_type<tc>} {
    %get3A = arith.constant 0 : index
    %get3A_0 = arith.constant 0 : index
    %get3A_1 = vector.load %arg0[%get3A, %get3A_0] : memref<10000x128xf32, #tpu.memory_space<vmem>>, vector<10000x128xf32>
    %get3A_2 = arith.constant 0 : index
    %get3A_3 = arith.constant 0 : index
    %get3A_4 = arith.constant 0 : index
    %get3A_5 = vector.load %arg1[%get3A_2, %get3A_3, %get3A_4] : memref<2x10000x128xf32, #tpu.memory_space<vmem>>, vector<1x10000x128xf32>
    %get3A_6 = vector.shape_cast %get3A_5 : vector<1x10000x128xf32> to vector<10000x128xf32>
    %add3A = arith.addf %get3A_1, %get3A_6 : vector<10000x128xf32>
    %get3A_7 = arith.constant 1 : index
    %get3A_8 = arith.constant 0 : index
    %get3A_9 = arith.constant 0 : index
    %get3A_10 = vector.load %arg1[%get3A_7, %get3A_8, %get3A_9] : memref<2x10000x128xf32, #tpu.memory_space<vmem>>, vector<1x10000x128xf32>
    %get3A_11 = vector.shape_cast %get3A_10 : vector<1x10000x128xf32> to vector<10000x128xf32>
    %add3A_12 = arith.addf %add3A, %get3A_11 : vector<10000x128xf32>
    %get3A_13 = arith.constant 0 : index
    %get3A_14 = arith.constant 0 : index
    %get3A_15 = vector.load %arg2[%get3A_13, %get3A_14] : memref<128x128xf32, #tpu.memory_space<vmem>>, vector<128x128xf32>
    %dot_general3A = arith.constant dense<0.000000e+00> : vector<10000x128xf32>
    %dot_general3A_16 = tpu.matmul %add3A_12, %get3A_15, %dot_general3A {dimension_numbers = #tpu.dot_dimension_numbers<[1], [0], [0], [1], [0, 0, 1, 1], [], []>, transpose_lhs_hint = false} : vector<10000x128xf32>, vector<128x128xf32>, vector<10000x128xf32> -> vector<10000x128xf32>
    %get3A_17 = arith.constant 0 : index
    %get3A_18 = arith.constant 0 : index
    %get3A_19 = vector.load %arg3[%get3A_17, %get3A_18] : memref<1x128xf32, #tpu.memory_space<vmem>>, vector<1x128xf32>
    %add3A_20 = vector.broadcast %get3A_19 : vector<1x128xf32> to vector<10000x128xf32>
    %add3A_21 = arith.addf %dot_general3A_16, %add3A_20 : vector<10000x128xf32>
    %reduce_sum3A = arith.constant dense<0.000000e+00> : vector<128xf32>
    %reduce_sum3A_22 = vector.multi_reduction <add>, %add3A_21, %reduce_sum3A [0] : vector<10000x128xf32> to vector<128xf32>
    %broadcast_in_dim3A = vector.shape_cast %reduce_sum3A_22 : vector<128xf32> to vector<1x128xf32>
    %div3A = arith.constant 1.000000e+04 : f32
    %div3A_23 = vector.broadcast %div3A : f32 to vector<1x128xf32>
    %div3A_24 = arith.divf %broadcast_in_dim3A, %div3A_23 : vector<1x128xf32>
    %sub3A = vector.broadcast %div3A_24 : vector<1x128xf32> to vector<10000x128xf32>
    %sub3A_25 = arith.subf %add3A_21, %sub3A : vector<10000x128xf32>
    %square3A = arith.mulf %sub3A_25, %sub3A_25 : vector<10000x128xf32>
    %reduce_sum3A_26 = arith.constant dense<0.000000e+00> : vector<128xf32>
    %reduce_sum3A_27 = vector.multi_reduction <add>, %square3A, %reduce_sum3A_26 [0] : vector<10000x128xf32> to vector<128xf32>
    %broadcast_in_dim3A_28 = vector.shape_cast %reduce_sum3A_27 : vector<128xf32> to vector<1x128xf32>
    %div3A_29 = arith.constant 1.000000e+04 : f32
    %div3A_30 = vector.broadcast %div3A_29 : f32 to vector<1x128xf32>
    %div3A_31 = arith.divf %broadcast_in_dim3A_28, %div3A_30 : vector<1x128xf32>
    %sub3A_32 = vector.broadcast %div3A_24 : vector<1x128xf32> to vector<10000x128xf32>
    %sub3A_33 = arith.subf %add3A_21, %sub3A_32 : vector<10000x128xf32>
    %add3A_34 = arith.constant 9.99999974E-6 : f32
    %add3A_35 = vector.broadcast %add3A_34 : f32 to vector<1x128xf32>
    %add3A_36 = arith.addf %div3A_31, %add3A_35 : vector<1x128xf32>
    %sqrt3A = math.sqrt %add3A_36 : vector<1x128xf32>
    %div3A_37 = vector.broadcast %sqrt3A : vector<1x128xf32> to vector<10000x128xf32>
    %div3A_38 = arith.divf %sub3A_33, %div3A_37 : vector<10000x128xf32>
    %get3A_39 = arith.constant 0 : index
    %get3A_40 = arith.constant 0 : index
    %get3A_41 = vector.load %arg4[%get3A_39, %get3A_40] : memref<1x128xf32, #tpu.memory_space<vmem>>, vector<1x128xf32>
    %mul3A = vector.broadcast %get3A_41 : vector<1x128xf32> to vector<10000x128xf32>
    %mul3A_42 = arith.mulf %div3A_38, %mul3A : vector<10000x128xf32>
    %get3A_43 = arith.constant 0 : index
    %get3A_44 = arith.constant 0 : index
    %get3A_45 = vector.load %arg5[%get3A_43, %get3A_44] : memref<1x128xf32, #tpu.memory_space<vmem>>, vector<1x128xf32>
    %add3A_46 = vector.broadcast %get3A_45 : vector<1x128xf32> to vector<10000x128xf32>
    %add3A_47 = arith.addf %mul3A_42, %add3A_46 : vector<10000x128xf32>
    %max3A = arith.constant 0.000000e+00 : f32
    %max3A_48 = vector.broadcast %max3A : f32 to vector<10000x128xf32>
    %max3A_49 = arith.maximumf %add3A_47, %max3A_48 : vector<10000x128xf32>
    %get3A_50 = arith.constant 0 : index
    %get3A_51 = arith.constant 0 : index
    %get3A_52 = vector.load %arg6[%get3A_50, %get3A_51] : memref<128x128xf32, #tpu.memory_space<vmem>>, vector<128x128xf32>
    %dot_general3A_53 = arith.constant dense<0.000000e+00> : vector<10000x128xf32>
    %dot_general3A_54 = tpu.matmul %max3A_49, %get3A_52, %dot_general3A_53 {dimension_numbers = #tpu.dot_dimension_numbers<[1], [0], [0], [1], [0, 0, 1, 1], [], []>, transpose_lhs_hint = false} : vector<10000x128xf32>, vector<128x128xf32>, vector<10000x128xf32> -> vector<10000x128xf32>
    %get3A_55 = arith.constant 0 : index
    %get3A_56 = arith.constant 0 : index
    %get3A_57 = vector.load %arg7[%get3A_55, %get3A_56] : memref<1x128xf32, #tpu.memory_space<vmem>>, vector<1x128xf32>
    %add3A_58 = vector.broadcast %get3A_57 : vector<1x128xf32> to vector<10000x128xf32>
    %add3A_59 = arith.addf %dot_general3A_54, %add3A_58 : vector<10000x128xf32>
    %reduce_sum3A_60 = arith.constant dense<0.000000e+00> : vector<128xf32>
    %reduce_sum3A_61 = vector.multi_reduction <add>, %add3A_59, %reduce_sum3A_60 [0] : vector<10000x128xf32> to vector<128xf32>
    %broadcast_in_dim3A_62 = vector.shape_cast %reduce_sum3A_61 : vector<128xf32> to vector<1x128xf32>
    %div3A_63 = arith.constant 1.000000e+04 : f32
    %div3A_64 = vector.broadcast %div3A_63 : f32 to vector<1x128xf32>
    %div3A_65 = arith.divf %broadcast_in_dim3A_62, %div3A_64 : vector<1x128xf32>
    %sub3A_66 = vector.broadcast %div3A_65 : vector<1x128xf32> to vector<10000x128xf32>
    %sub3A_67 = arith.subf %add3A_59, %sub3A_66 : vector<10000x128xf32>
    %square3A_68 = arith.mulf %sub3A_67, %sub3A_67 : vector<10000x128xf32>
    %reduce_sum3A_69 = arith.constant dense<0.000000e+00> : vector<128xf32>
    %reduce_sum3A_70 = vector.multi_reduction <add>, %square3A_68, %reduce_sum3A_69 [0] : vector<10000x128xf32> to vector<128xf32>
    %broadcast_in_dim3A_71 = vector.shape_cast %reduce_sum3A_70 : vector<128xf32> to vector<1x128xf32>
    %div3A_72 = arith.constant 1.000000e+04 : f32
    %div3A_73 = vector.broadcast %div3A_72 : f32 to vector<1x128xf32>
    %div3A_74 = arith.divf %broadcast_in_dim3A_71, %div3A_73 : vector<1x128xf32>
    %sub3A_75 = vector.broadcast %div3A_65 : vector<1x128xf32> to vector<10000x128xf32>
    %sub3A_76 = arith.subf %add3A_59, %sub3A_75 : vector<10000x128xf32>
    %add3A_77 = arith.constant 9.99999974E-6 : f32
    %add3A_78 = vector.broadcast %add3A_77 : f32 to vector<1x128xf32>
    %add3A_79 = arith.addf %div3A_74, %add3A_78 : vector<1x128xf32>
    %sqrt3A_80 = math.sqrt %add3A_79 : vector<1x128xf32>
    %div3A_81 = vector.broadcast %sqrt3A_80 : vector<1x128xf32> to vector<10000x128xf32>
    %div3A_82 = arith.divf %sub3A_76, %div3A_81 : vector<10000x128xf32>
    %get3A_83 = arith.constant 0 : index
    %get3A_84 = arith.constant 0 : index
    %get3A_85 = vector.load %arg8[%get3A_83, %get3A_84] : memref<1x128xf32, #tpu.memory_space<vmem>>, vector<1x128xf32>
    %mul3A_86 = vector.broadcast %get3A_85 : vector<1x128xf32> to vector<10000x128xf32>
    %mul3A_87 = arith.mulf %div3A_82, %mul3A_86 : vector<10000x128xf32>
    %get3A_88 = arith.constant 0 : index
    %get3A_89 = arith.constant 0 : index
    %get3A_90 = vector.load %arg9[%get3A_88, %get3A_89] : memref<1x128xf32, #tpu.memory_space<vmem>>, vector<1x128xf32>
    %add3A_91 = vector.broadcast %get3A_90 : vector<1x128xf32> to vector<10000x128xf32>
    %add3A_92 = arith.addf %mul3A_87, %add3A_91 : vector<10000x128xf32>
    %max3A_93 = arith.constant 0.000000e+00 : f32
    %max3A_94 = vector.broadcast %max3A_93 : f32 to vector<10000x128xf32>
    %max3A_95 = arith.maximumf %add3A_92, %max3A_94 : vector<10000x128xf32>
    %swap3A = arith.constant 0 : index
    %swap3A_96 = arith.constant 0 : index
    %swap3A_97 = vector.load %arg11[%swap3A, %swap3A_96] : memref<10000x128xf32, #tpu.memory_space<vmem>>, vector<10000x128xf32>
    tpu.vector_store %arg11[%swap3A, %swap3A_96], %max3A_95 {strides = array<i32>} : memref<10000x128xf32, #tpu.memory_space<vmem>>, vector<10000x128xf32>,
    %get3A_98 = arith.constant 0 : index
    %get3A_99 = arith.constant 0 : index
    %get3A_100 = vector.load %arg10[%get3A_98, %get3A_99] : memref<1x10000xi32, #tpu.memory_space<vmem>>, vector<1x10000xi32>
    %iota3A = tpu.iota {dimensions = array<i32: 0>} : vector<16x10000xi32>
    %eq3A = vector.broadcast %get3A_100 : vector<1x10000xi32> to vector<16x10000xi32>
    %eq3A_101 = arith.cmpi eq, %eq3A, %iota3A : vector<16x10000xi32>
    %convert_element_type3A = arith.extui %eq3A_101 : vector<16x10000xi1> to vector<16x10000xi32>
    %convert_element_type3A_102 = arith.sitofp %convert_element_type3A : vector<16x10000xi32> to vector<16x10000xf32>
    %dot_general3A_103 = arith.constant dense<0.000000e+00> : vector<16x128xf32>
    %dot_general3A_104 = tpu.matmul %convert_element_type3A_102, %max3A_95, %dot_general3A_103 {dimension_numbers = #tpu.dot_dimension_numbers<[1], [0], [0], [1], [0, 0, 1, 1], [], []>, transpose_lhs_hint = false} : vector<16x10000xf32>, vector<10000x128xf32>, vector<16x128xf32> -> vector<16x128xf32>
    %swap3A_105 = arith.constant 0 : index
    %swap3A_106 = arith.constant 0 : index
    %swap3A_107 = vector.load %arg12[%swap3A_105, %swap3A_106] : memref<16x128xf32, #tpu.memory_space<vmem>>, vector<16x128xf32>
    tpu.vector_store %arg12[%swap3A_105, %swap3A_106], %dot_general3A_104 {strides = array<i32>} : memref<16x128xf32, #tpu.memory_space<vmem>>, vector<16x128xf32>,
    return
  }
}

module attributes {stable_mosaic.version = 14 : i64} {
  func.func @_node_block(%arg0: memref<10000x128xf32, #tpu.memory_space<vmem>>, %arg1: memref<2x10000x128xf32, #tpu.memory_space<vmem>>, %arg2: memref<128x128xf32, #tpu.memory_space<vmem>>, %arg3: memref<1x128xf32, #tpu.memory_space<vmem>>, %arg4: memref<1x128xf32, #tpu.memory_space<vmem>>, %arg5: memref<1x128xf32, #tpu.memory_space<vmem>>, %arg6: memref<128x128xf32, #tpu.memory_space<vmem>>, %arg7: memref<1x128xf32, #tpu.memory_space<vmem>>, %arg8: memref<1x128xf32, #tpu.memory_space<vmem>>, %arg9: memref<1x128xf32, #tpu.memory_space<vmem>>, %arg10: memref<1x10000xi32, #tpu.memory_space<vmem>>, %arg11: memref<10000x128xf32, #tpu.memory_space<vmem>>, %arg12: memref<16x128xf32, #tpu.memory_space<vmem>>) attributes {dimension_semantics = [], scalar_prefetch = 0 : i64, scratch_operands = 0 : i64, tpu.core_type = #tpu.core_type<tc>} {
    %get3A = arith.constant 0 : index
    %get3A_0 = arith.constant 0 : index
    %get3A_1 = vector.load %arg0[%get3A, %get3A_0] : memref<10000x128xf32, #tpu.memory_space<vmem>>, vector<10000x128xf32>
    %get3A_2 = arith.constant 0 : index
    %get3A_3 = arith.constant 0 : index
    %get3A_4 = arith.constant 0 : index
    %get3A_5 = vector.load %arg1[%get3A_2, %get3A_3, %get3A_4] : memref<2x10000x128xf32, #tpu.memory_space<vmem>>, vector<1x10000x128xf32>
    %get3A_6 = vector.shape_cast %get3A_5 : vector<1x10000x128xf32> to vector<10000x128xf32>
    %add3A = arith.addf %get3A_1, %get3A_6 : vector<10000x128xf32>
    %get3A_7 = arith.constant 1 : index
    %get3A_8 = arith.constant 0 : index
    %get3A_9 = arith.constant 0 : index
    %get3A_10 = vector.load %arg1[%get3A_7, %get3A_8, %get3A_9] : memref<2x10000x128xf32, #tpu.memory_space<vmem>>, vector<1x10000x128xf32>
    %get3A_11 = vector.shape_cast %get3A_10 : vector<1x10000x128xf32> to vector<10000x128xf32>
    %add3A_12 = arith.addf %add3A, %get3A_11 : vector<10000x128xf32>
    %get3A_13 = arith.constant 0 : index
    %get3A_14 = arith.constant 0 : index
    %get3A_15 = vector.load %arg2[%get3A_13, %get3A_14] : memref<128x128xf32, #tpu.memory_space<vmem>>, vector<128x128xf32>
    %dot_general3A = arith.constant dense<0.000000e+00> : vector<10000x128xf32>
    %dot_general3A_16 = tpu.matmul %add3A_12, %get3A_15, %dot_general3A {dimension_numbers = #tpu.dot_dimension_numbers<[1], [0], [0], [1], [0, 0, 1, 1], [], []>, transpose_lhs_hint = false} : vector<10000x128xf32>, vector<128x128xf32>, vector<10000x128xf32> -> vector<10000x128xf32>
    %get3A_17 = arith.constant 0 : index
    %get3A_18 = arith.constant 0 : index
    %get3A_19 = vector.load %arg3[%get3A_17, %get3A_18] : memref<1x128xf32, #tpu.memory_space<vmem>>, vector<1x128xf32>
    %add3A_20 = vector.broadcast %get3A_19 : vector<1x128xf32> to vector<10000x128xf32>
    %add3A_21 = arith.addf %dot_general3A_16, %add3A_20 : vector<10000x128xf32>
    %reduce_sum3A = arith.constant dense<0.000000e+00> : vector<128xf32>
    %reduce_sum3A_22 = vector.multi_reduction <add>, %add3A_21, %reduce_sum3A [0] : vector<10000x128xf32> to vector<128xf32>
    %broadcast_in_dim3A = vector.shape_cast %reduce_sum3A_22 : vector<128xf32> to vector<1x128xf32>
    %div3A = arith.constant 1.000000e+04 : f32
    %div3A_23 = vector.broadcast %div3A : f32 to vector<1x128xf32>
    %div3A_24 = arith.divf %broadcast_in_dim3A, %div3A_23 : vector<1x128xf32>
    %sub3A = vector.broadcast %div3A_24 : vector<1x128xf32> to vector<10000x128xf32>
    %sub3A_25 = arith.subf %add3A_21, %sub3A : vector<10000x128xf32>
    %square3A = arith.mulf %sub3A_25, %sub3A_25 : vector<10000x128xf32>
    %reduce_sum3A_26 = arith.constant dense<0.000000e+00> : vector<128xf32>
    %reduce_sum3A_27 = vector.multi_reduction <add>, %square3A, %reduce_sum3A_26 [0] : vector<10000x128xf32> to vector<128xf32>
    %broadcast_in_dim3A_28 = vector.shape_cast %reduce_sum3A_27 : vector<128xf32> to vector<1x128xf32>
    %div3A_29 = arith.constant 1.000000e+04 : f32
    %div3A_30 = vector.broadcast %div3A_29 : f32 to vector<1x128xf32>
    %div3A_31 = arith.divf %broadcast_in_dim3A_28, %div3A_30 : vector<1x128xf32>
    %sub3A_32 = vector.broadcast %div3A_24 : vector<1x128xf32> to vector<10000x128xf32>
    %sub3A_33 = arith.subf %add3A_21, %sub3A_32 : vector<10000x128xf32>
    %add3A_34 = arith.constant 9.99999974E-6 : f32
    %add3A_35 = vector.broadcast %add3A_34 : f32 to vector<1x128xf32>
    %add3A_36 = arith.addf %div3A_31, %add3A_35 : vector<1x128xf32>
    %sqrt3A = math.sqrt %add3A_36 : vector<1x128xf32>
    %div3A_37 = vector.broadcast %sqrt3A : vector<1x128xf32> to vector<10000x128xf32>
    %div3A_38 = arith.divf %sub3A_33, %div3A_37 : vector<10000x128xf32>
    %get3A_39 = arith.constant 0 : index
    %get3A_40 = arith.constant 0 : index
    %get3A_41 = vector.load %arg4[%get3A_39, %get3A_40] : memref<1x128xf32, #tpu.memory_space<vmem>>, vector<1x128xf32>
    %mul3A = vector.broadcast %get3A_41 : vector<1x128xf32> to vector<10000x128xf32>
    %mul3A_42 = arith.mulf %div3A_38, %mul3A : vector<10000x128xf32>
    %get3A_43 = arith.constant 0 : index
    %get3A_44 = arith.constant 0 : index
    %get3A_45 = vector.load %arg5[%get3A_43, %get3A_44] : memref<1x128xf32, #tpu.memory_space<vmem>>, vector<1x128xf32>
    %add3A_46 = vector.broadcast %get3A_45 : vector<1x128xf32> to vector<10000x128xf32>
    %add3A_47 = arith.addf %mul3A_42, %add3A_46 : vector<10000x128xf32>
    %max3A = arith.constant 0.000000e+00 : f32
    %max3A_48 = vector.broadcast %max3A : f32 to vector<10000x128xf32>
    %max3A_49 = arith.maximumf %add3A_47, %max3A_48 : vector<10000x128xf32>
    %get3A_50 = arith.constant 0 : index
    %get3A_51 = arith.constant 0 : index
    %get3A_52 = vector.load %arg6[%get3A_50, %get3A_51] : memref<128x128xf32, #tpu.memory_space<vmem>>, vector<128x128xf32>
    %dot_general3A_53 = arith.constant dense<0.000000e+00> : vector<10000x128xf32>
    %dot_general3A_54 = tpu.matmul %max3A_49, %get3A_52, %dot_general3A_53 {dimension_numbers = #tpu.dot_dimension_numbers<[1], [0], [0], [1], [0, 0, 1, 1], [], []>, transpose_lhs_hint = false} : vector<10000x128xf32>, vector<128x128xf32>, vector<10000x128xf32> -> vector<10000x128xf32>
    %get3A_55 = arith.constant 0 : index
    %get3A_56 = arith.constant 0 : index
    %get3A_57 = vector.load %arg7[%get3A_55, %get3A_56] : memref<1x128xf32, #tpu.memory_space<vmem>>, vector<1x128xf32>
    %add3A_58 = vector.broadcast %get3A_57 : vector<1x128xf32> to vector<10000x128xf32>
    %add3A_59 = arith.addf %dot_general3A_54, %add3A_58 : vector<10000x128xf32>
    %reduce_sum3A_60 = arith.constant dense<0.000000e+00> : vector<128xf32>
    %reduce_sum3A_61 = vector.multi_reduction <add>, %add3A_59, %reduce_sum3A_60 [0] : vector<10000x128xf32> to vector<128xf32>
    %broadcast_in_dim3A_62 = vector.shape_cast %reduce_sum3A_61 : vector<128xf32> to vector<1x128xf32>
    %div3A_63 = arith.constant 1.000000e+04 : f32
    %div3A_64 = vector.broadcast %div3A_63 : f32 to vector<1x128xf32>
    %div3A_65 = arith.divf %broadcast_in_dim3A_62, %div3A_64 : vector<1x128xf32>
    %sub3A_66 = vector.broadcast %div3A_65 : vector<1x128xf32> to vector<10000x128xf32>
    %sub3A_67 = arith.subf %add3A_59, %sub3A_66 : vector<10000x128xf32>
    %square3A_68 = arith.mulf %sub3A_67, %sub3A_67 : vector<10000x128xf32>
    %reduce_sum3A_69 = arith.constant dense<0.000000e+00> : vector<128xf32>
    %reduce_sum3A_70 = vector.multi_reduction <add>, %square3A_68, %reduce_sum3A_69 [0] : vector<10000x128xf32> to vector<128xf32>
    %broadcast_in_dim3A_71 = vector.shape_cast %reduce_sum3A_70 : vector<128xf32> to vector<1x128xf32>
    %div3A_72 = arith.constant 1.000000e+04 : f32
    %div3A_73 = vector.broadcast %div3A_72 : f32 to vector<1x128xf32>
    %div3A_74 = arith.divf %broadcast_in_dim3A_71, %div3A_73 : vector<1x128xf32>
    %sub3A_75 = vector.broadcast %div3A_65 : vector<1x128xf32> to vector<10000x128xf32>
    %sub3A_76 = arith.subf %add3A_59, %sub3A_75 : vector<10000x128xf32>
    %add3A_77 = arith.constant 9.99999974E-6 : f32
    %add3A_78 = vector.broadcast %add3A_77 : f32 to vector<1x128xf32>
    %add3A_79 = arith.addf %div3A_74, %add3A_78 : vector<1x128xf32>
    %sqrt3A_80 = math.sqrt %add3A_79 : vector<1x128xf32>
    %div3A_81 = vector.broadcast %sqrt3A_80 : vector<1x128xf32> to vector<10000x128xf32>
    %div3A_82 = arith.divf %sub3A_76, %div3A_81 : vector<10000x128xf32>
    %get3A_83 = arith.constant 0 : index
    %get3A_84 = arith.constant 0 : index
    %get3A_85 = vector.load %arg8[%get3A_83, %get3A_84] : memref<1x128xf32, #tpu.memory_space<vmem>>, vector<1x128xf32>
    %mul3A_86 = vector.broadcast %get3A_85 : vector<1x128xf32> to vector<10000x128xf32>
    %mul3A_87 = arith.mulf %div3A_82, %mul3A_86 : vector<10000x128xf32>
    %get3A_88 = arith.constant 0 : index
    %get3A_89 = arith.constant 0 : index
    %get3A_90 = vector.load %arg9[%get3A_88, %get3A_89] : memref<1x128xf32, #tpu.memory_space<vmem>>, vector<1x128xf32>
    %add3A_91 = vector.broadcast %get3A_90 : vector<1x128xf32> to vector<10000x128xf32>
    %add3A_92 = arith.addf %mul3A_87, %add3A_91 : vector<10000x128xf32>
    %max3A_93 = arith.constant 0.000000e+00 : f32
    %max3A_94 = vector.broadcast %max3A_93 : f32 to vector<10000x128xf32>
    %max3A_95 = arith.maximumf %add3A_92, %max3A_94 : vector<10000x128xf32>
    %swap3A = arith.constant 0 : index
    %swap3A_96 = arith.constant 0 : index
    %swap3A_97 = vector.load %arg11[%swap3A, %swap3A_96] : memref<10000x128xf32, #tpu.memory_space<vmem>>, vector<10000x128xf32>
    tpu.vector_store %arg11[%swap3A, %swap3A_96], %max3A_95 {strides = array<i32>} : memref<10000x128xf32, #tpu.memory_space<vmem>>, vector<10000x128xf32>,
    %get3A_98 = arith.constant 0 : index
    %get3A_99 = arith.constant 0 : index
    %get3A_100 = vector.load %arg10[%get3A_98, %get3A_99] : memref<1x10000xi32, #tpu.memory_space<vmem>>, vector<1x10000xi32>
    %iota3A = tpu.iota {dimensions = array<i32: 0>} : vector<16x10000xi32>
    %eq3A = vector.broadcast %get3A_100 : vector<1x10000xi32> to vector<16x10000xi32>
    %eq3A_101 = arith.cmpi eq, %eq3A, %iota3A : vector<16x10000xi32>
    %convert_element_type3A = arith.extui %eq3A_101 : vector<16x10000xi1> to vector<16x10000xi32>
    %convert_element_type3A_102 = arith.sitofp %convert_element_type3A : vector<16x10000xi32> to vector<16x10000xf32>
    %dot_general3A_103 = arith.constant dense<0.000000e+00> : vector<16x128xf32>
    %dot_general3A_104 = tpu.matmul %convert_element_type3A_102, %max3A_95, %dot_general3A_103 {dimension_numbers = #tpu.dot_dimension_numbers<[1], [0], [0], [1], [0, 0, 1, 1], [], []>, transpose_lhs_hint = false} : vector<16x10000xf32>, vector<10000x128xf32>, vector<16x128xf32> -> vector<16x128xf32>
    %swap3A_105 = arith.constant 0 : index
    %swap3A_106 = arith.constant 0 : index
    %swap3A_107 = vector.load %arg12[%swap3A_105, %swap3A_106] : memref<16x128xf32, #tpu.memory_space<vmem>>, vector<16x128xf32>
    tpu.vector_store %arg12[%swap3A_105, %swap3A_106], %dot_general3A_104 {strides = array<i32>} : memref<16x128xf32, #tpu.memory_space<vmem>>, vector<16x128xf32>,
    return
  }
}

</mosaic_0001>

<sc_bundles>
// kernel: kernel.11.cloned.1.call-start
scs
__scs_entry_jumppad:
0x0: {  	(pc) =	sbr.rel $0x88, $3  }
0x1: {  	(tag) =	ssettag $0x0;
	lr =	simm.s32 $0x1  }
0x2: {  	[smem:$0x3F7F] =	sst lr;
	_ =	strace $0xD0000000  }
0x3: {  	_ = 	snop  }
0x4: {  	_ = 	snop  }
0x5: {  	_ = 	snop  }
0x6: {  	_ = 	snop  }
0x7: {  	_ = 	snop  }
__scs_overlays_trampoline_lowered:
0x8: {  	[smem:$0x3F8E] =	sst s0  }
0x9: {  	[smem:$0x3F8F] =	sst s1  }
0xa: {  	[smem:$0x3F90] =	sst s2  }
0xb: {  	[smem:$0x3F91] =	sst s3  }
0xc: {  	[smem:$0x3F92] =	sst s4  }
0xd: {  	[smem:$0x3F93] =	sst s5  }
0xe: {  	[smem:$0x3F94] =	sst s6  }
0xf: {  	[smem:$0x3F95] =	sst s7  }
0x10: {  	[smem:$0x3F96] =	sst s8  }
0x11: {  	[smem:$0x3F97] =	sst s9;
	s0 =	simm.s32 @!p0 $0x0  }
0x12: {  	s1 =	sld [smem:$0x3F7D];
	s0 =	simm.s32 @p0 $0x1  }
0x13: {  	[smem:$0x3F98] =	sst s0;
	s0 =	simm.s32 @!p1 $0x0  }
0x14: {  	s2 =	sld [smem:$0x3F7C];
	s0 =	simm.s32 @p1 $0x1  }
0x15: {  	[smem:$0x3F99] =	sst s0;
	s0 =	simm.s32 @!p2 $0x0  }
0x16: {  	s3 =	sld [smem:$0x3FDB];
	s0 =	simm.s32 @p2 $0x1  }
0x17: {  	s4 =	simm.s32 $0x1BF5;
	[smem:$0x3F9B] =	sst s0  }
0x18: {  	s0 =	sld [smem:$0x3F7E];
	_ =	swait.ge [sflag:s4], $0x0  }
0x19: {  	s7 =	sld [smem:$0x3F7F]  }
0x1a: {  	s8 =	sadd.s32 $0xFFFFE003, lr  }
0x1b: {  	s9 =	sadd.s32 $0xFFFFFEF7, lr;
	s5 =	simm.s32 $0xFFFFFFFF;
	p2 =	slt.u32 s8, $0xFFFFF086  }
0x1c: {  	p1 =	slt.u32 s9, $0xF7A;
	s5 =	simm.s32 @!p2 $0x0  }
0x1d: {  	s5 =	simm.s32 @p1 $0x1;
	p0 =	seq.s32 s7, s2  }
0x1e: {  	s7 =	smul.u32 @!p0 $0xF7A, s2;
	p2 =	seq.s32 @!p0 s5, $0x0  }
0x1f: {  	s9 =	smul.u32 $0xF7A, s1;
	s8 =	simm.s32 @!p0 $0x1BF5;
	p2 =	por !p2, p0  }
0x20: {  	[sflag:s8] =	ssyncset.s32 @!p0 $0xFFFFF086;
	s6 =	sadd.s32 @!p0 s3, s7;
	s7 =	simm.s32 @!p0 $0x108  }
0x21: {  	s3 =	sadd.s32 s3, s9;
	s6 =	sadd.s32 @!p0 $0x88, s6;
	s7 =	simm.s32 @p2 $0x1082  }
0x22: {  	[simem:s7], [sflag:s8] =	dma.local @!p0 [hbm:s6], $0xF7A  }
0x23: {  	s9 =	sor.u32 $0xD0000000, s2;
	s6 =	simm.s32 $0x108;
	_ =	swait.ge @!p0 [sflag:s8], $0x0  }
0x24: {  	s3 =	sadd.s32 $0x88, s3;
	s6 =	simm.s32 @!p1 $0x1082;
	[sflag:s4] =	ssyncset.s32 $0xFFFFF086  }
0x25: {  	[simem:s6], [sflag:s4] =	dma.local [hbm:s3], $0xF7A  }
0x26: {  	[smem:$0x3F7F] =	sst s1;
	(tag) =	ssettag s2;
	_ =	strace s9  }
0x27: {  	s1 =	sld [smem:$0x3F8F]  }
0x28: {  	s2 =	sld [smem:$0x3F90]  }
0x29: {  	s4 =	sld [smem:$0x3F92]  }
0x2a: {  	p0 =	seq.s32 s5, $0x0;
	s5 =	sld [smem:$0x3F93]  }
0x2b: {  	s6 =	sld [smem:$0x3F94]  }
0x2c: {  	s7 =	sld [smem:$0x3F95]  }
0x2d: {  	s3 =	simm.s32 $0x108;
	s8 =	sld [smem:$0x3F96]  }
0x2e: {  	s3 =	simm.s32 @!p0 $0x1082;
	s9 =	sld [smem:$0x3F97]  }
0x2f: {  	lr =	sadd.s32 s0, s3;
	s0 =	sld [smem:$0x3F8E]  }
0x30: {  	s3 =	sld [smem:$0x3F91]  }
0x31: {  	[smem:$0x3F9A] =	sst s10  }
0x32: {  	s10 =	sld [smem:$0x3F98];
	_ =	sdelay $0x3  }
0x33: {  	p0 =	seq.s32 s10, $0x1;
	s10 =	sld [smem:$0x3F9A];
	_ =	sdelay $0x3  }
0x34: {  	[smem:$0x3F9A] =	sst s10  }
0x35: {  	s10 =	sld [smem:$0x3F99];
	_ =	sdelay $0x3  }
0x36: {  	p1 =	seq.s32 s10, $0x1;
	s10 =	sld [smem:$0x3F9A];
	_ =	sdelay $0x3  }
0x37: {  	[smem:$0x3F9A] =	sst s10  }
0x38: {  	s10 =	sld [smem:$0x3F9B]  }
0x39: {  	_ = 	snop;
	(pc) =	sbr.ind lr, $3  }
0x3a: {  	_ = 	snop  }
0x3b: {  	_ = 	snop  }
0x3c: {  	p2 =	seq.s32 s10, $0x1;
	s10 =	sld [smem:$0x3F9A]  }
0x3d: {  	_ =	shalt  }
0x3e: {  	_ =	shalt  }
0x3f: {  	_ =	shalt  }
0x40: {  	_ =	shalt  }
0x41: {  	_ =	shalt  }
0x42: {  	_ =	shalt  }
0x43: {  	_ =	shalt  }
0x44: {  	_ =	shalt  }
0x45: {  	_ =	shalt  }
0x46: {  	_ =	shalt  }
0x47: {  	_ =	shalt  }
0x48: {  	_ =	shalt  }
0x49: {  	_ =	shalt  }
0x4a: {  	_ =	shalt  }
0x4b: {  	_ =	shalt  }
0x4c: {  	_ =	shalt  }
0x4d: {  	_ =	shalt  }
0x4e: {  	_ =	shalt  }
0x4f: {  	_ =	shalt  }
0x50: {  	_ =	shalt  }
0x51: {  	_ =	shalt  }
0x52: {  	_ =	shalt  }
0x53: {  	_ =	shalt  }
0x54: {  	_ =	shalt  }
0x55: {  	_ =	shalt  }
0x56: {  	_ =	shalt  }
0x57: {  	_ =	shalt  }
0x58: {  	_ =	shalt  }
0x59: {  	_ =	shalt  }
0x5a: {  	_ =	shalt  }
0x5b: {  	_ =	shalt  }
0x5c: {  	_ =	shalt  }
0x5d: {  	_ =	shalt  }
0x5e: {  	_ =	shalt  }
0x5f: {  	_ =	shalt  }
0x60: {  	_ =	shalt  }
0x61: {  	_ =	shalt  }
0x62: {  	_ =	shalt  }
0x63: {  	_ =	shalt  }
0x64: {  	_ =	shalt  }
0x65: {  	_ =	shalt  }
0x66: {  	_ =	shalt  }
0x67: {  	_ =	shalt  }
0x68: {  	_ =	shalt  }
0x69: {  	_ =	shalt  }
0x6a: {  	_ =	shalt  }
0x6b: {  	_ =	shalt  }
0x6c: {  	_ =	shalt  }
0x6d: {  	_ =	shalt  }
0x6e: {  	_ =	shalt  }
0x6f: {  	_ =	shalt  }
0x70: {  	_ =	shalt  }
0x71: {  	_ =	shalt  }
0x72: {  	_ =	shalt  }
0x73: {  	_ =	shalt  }
0x74: {  	_ =	shalt  }
0x75: {  	_ =	shalt  }
0x76: {  	_ =	shalt  }
0x77: {  	_ =	shalt  }
0x78: {  	_ =	shalt  }
0x79: {  	_ =	shalt  }
0x7a: {  	_ =	shalt  }
0x7b: {  	_ =	shalt  }
0x7c: {  	_ =	shalt  }
0x7d: {  	_ =	shalt  }
0x7e: {  	_ =	shalt  }
0x7f: {  	_ =	shalt  }
0x80: {  	_ =	shalt  }
0x81: {  	_ =	shalt  }
0x82: {  	_ =	shalt  }
0x83: {  	_ =	shalt  }
0x84: {  	_ =	shalt  }
0x85: {  	_ =	shalt  }
0x86: {  	_ =	shalt  }
0x87: {  	_ =	shalt  }
.Lfunc_end0:
.L_simem_size_0:
called_computation_lowered:
.L_overlay_start_0:
0x88: {  	s2 =	sld [smem:$0x3FD9]  }
0x89: {  	s3 =	sld [smem:$0x3FFE];
	_ =	sdelay $0x1  }
0x8a: {  	s1 =	srdreg.scid  }
0x8b: {  	s0 =	sand.u32 $0x1, s1  }
0x8c: {  	s17 =	sshll.u32 s0, $0xA;
	s2 =	sadd.s32 s3, s2  }
0x8d: {  	s2 =	sadd.s32 s2, s17  }
0x8e: {  	[smem:$0x3FA6] =	sst s2  }
0x8f: {  	_ = 	snop  }
0x90: {  	s2 =	sld [smem:$0x3FC9];
	(tm) =	ssettm $0x1  }
0x91: {  	s18 =	sld [smem:$0x3FFB];
	_ =	sdelay $0x3  }
0x92: {  	_ =	strace s18  }
0x93: {  	s3 =	sld [smem:$0x3FFC];
	_ =	sdelay $0x3  }
0x94: {  	_ =	strace s3  }
0x95: {  	s3 =	sld [smem:$0x3FFD];
	_ =	sdelay $0x3  }
0x96: {  	_ =	strace s3  }
0x97: {  	_ =	strace $0x8FFFFFFF  }
0x98: {  	s19 =	sld [smem:$0x3FDB];
	_ =	sdelay $0x1  }
0x99: {  	s4 =	simm.s32 $_scs_section_size  }
0x9a: {  	s5 =	simm.s32 $_size__tile_overlayer_lowered;
	s6 =	simm.s32 $_tile_overlayer_lowered  }
0x9b: {  	s22 =	simm.s32 $0x1BFF;
	s21 =	sshll.u32 s6, $0x1;
	s3 =	sadd.s32 s4, s19  }
0x9c: {  	s7 =	simm.s32 $0x0;
	s20 =	sshll.u32 s5, $0x1;
	s5 =	sadd.s32 s21, s3  }
0x9d: {  	[timem:s7], [sflag:s22] =	dma.local [hbm:s5], s20  }
0x9e: {  	_ =	swait.ge [sflag:s22], s20  }
0x9f: {  	s4 =	ssub.s32 $0x0, s20;
	[sflag:s22] =	ssyncset.done $0x0  }
0xa0: {  	[sflag:s22] =	ssyncadd.s32 s4;
	_ =	sdelay $0x1  }
0xa1: {  	s23 =	simm.s32 $0x1B8B  }
0xa2: {  	_ =	swait.ge [sflag:s23], $0x1  }
0xa3: {  	[sflag:s23] =	ssyncset.done $0x0  }
0xa4: {  	s25 =	simm.s32 $0x1B8E;
	s24 =	sld [smem:$0x3FFE];
	[sflag:s23] =	ssyncadd.s32 $0xFFFFFFFF  }
0xa5: {  	s26 =	simm.s32 $execute0_lowered;
	[smem:$0x3FD2] =	sst s25  }
0xa6: {  	s5 =	sshll.u32 s26, $0x1;
	_ =	strace $0x80000046;
	[dreg:$0x1] =	wrdreg $0xFFFFFFFF  }
0xa7: {  	s28 =	simm.s32 $_size_execute0_lowered;
	s3 =	sadd.s32 s3, s5;
	[dreg:$0x0] =	wrdreg $0x0  }
0xa8: {  	s5 =	sshll.u32 s28, $0x1;
	[dreg:$0x2] =	wrdreg s3  }
0xa9: {  	[dreg:$0x3] =	wrdreg s5  }
0xaa: {  	[dreg:$0x4] =	wrdreg $0xC0  }
0xab: {  	_ =	task [dreg:s7], $0x5FFFF  }
0xac: {  	[dreg:$0x1] =	wrdreg $0xFFFFFFFF  }
0xad: {  	[dreg:$0x0] =	wrdreg $0x60  }
0xae: {  	[dreg:$0x2] =	wrdreg s2  }
0xaf: {  	[dreg:$0x3] =	wrdreg s24  }
0xb0: {  	[dreg:$0x4] =	wrdreg $0x70000  }
0xb1: {  	[dreg:$0x5] =	wrdreg $0x9  }
0xb2: {  	_ =	task.clear_ibuf [dreg:s7], $0x6FFFF;
	_ =	strace $0x90000046  }
0xb3: {  	s29 =	simm.s32 $0x9;
	_ =	strace $0x80000048  }
0xb4: {  	_ =	swait.ge [sflag:s29], $0x1  }
0xb5: {  	[sflag:s29] =	ssyncadd.s32 $0xFFFFFFFF  }
0xb6: {  	_ =	strace $0x90000048  }
0xb7: {  	_ =	sfence  }
0xb8: {  	s30 =	sld [smem:$0x0];
	_ =	sdelay $0x2  }
0xb9: {  	s31 =	sshll.u32 s1, $0xD;
	s1 =	sshrl.u32 s1, $0x2  }
0xba: {  	s3 =	sand.u32 $0x4000, s31;
	s1 =	sadd.s32 s1, s30  }
0xbb: {  	s0 =	sor.u32 s3, s0;
	s1 =	sshll.u32 s1, $0x11  }
0xbc: {  	s0 =	sor.u32 s1, s0  }
0xbd: {  	s0 =	sadd.s32 $0x8F2B, s0  }
0xbe: {  	[sflag:s0] =	ssyncadd.remote.s32 $0x1  }
0xbf: {  	_ =	sfence.sel $0xFFFF  }
0xc0: {  	[dreg:$0x0] =	wrdreg $0xFFFFFFFF;
	(pc) =	sbr.abs _section_cstart, $3  }
0xc1: {  	[dreg:$0x1] =	wrdreg $0xFFFFFFFF  }
0xc2: {  	_ =	task.clear_ibuf [dreg:s7], $0x2FFFF;
	_ =	strace $0x9FFFFFFF  }
0xc3: {  	(tm) =	ssettm $0x7FFFFFFF  }
tec
execute0_lowered:
.L_overlay_start_1:
0x0: {  	(tag) =	ssettag $0x1  }
0x1: {  	s1 =	rddreg [dreg:$0x0]  }
0x2: {  	s9 =	rddreg [dreg:$0x1]  }
0x3: {  	s3 =	rddreg [dreg:$0x2]  }
0x4: {  	s4 =	simm.s32 $0x0;
	s2 =	stileid.u32;
	s7 =	srdreg.scid  }
0x5: {  	s19 =	simm.s32 $0x1000;
	s20 =	simm.s32 $0x50;
	s21 =	simm.s32 $0x2000  }
0x6: {  	s22 =	simm.s32 $0x4800;
	s23 =	simm.s32 $0x1;
	[smem:$0x7FF] =	sst s4  }
0x7: {  	s8 =	smul.u32 $0x2700, s2;
	s5 =	sadd.s32 $0x510600, s9;
	s6 =	sadd.s32 $0x6600, s9  }
0x8: {  	s10 =	sand.u32 $0x1, s7;
	s7 =	sadd.s32 $0x1A600, s9;
	s13 =	sadd.s32 $0xA19800, s9  }
0x9: {  	s14 =	smul.u32 $0x4E000, s2;
	s28 =	sshll.u32 s2, $0x1;
	s16 =	sadd.s32 $0x124800, s3  }
0xa: {  	s31 =	smul.u32 $0x13800, s2;
	p0 =	seq.s32 s2, $0xF;
	_ =	strace $0x80000047  }
0xb: {  	s11 =	ssub.s32 $0x2, s10;
	s29 =	smul.u32 $0x138800, s10;
	s8 =	sadd.s32 s8, s9  }
0xc: {  	s12 =	sshrl.u32 s11, $0x1;
	s30 =	sshrl.u32 s14, $0x2;
	s9 =	sadd.s32 $0xA16F00, s9  }
0xd: {  	s15 =	ssub.s32 s11, s12;
	s11 =	sor.u32 s10, s28;
	s17 =	sadd.s32 s30, s3  }
0xe: {  	s8 =	sadd.s32 $0x9F2600, s8;
	s14 =	sadd.s32 s31, s29;
	s10 =	smul.u32 $0x5000, s11  }
0xf: {  	s18 =	sshrl.u32 s29, $0x3;
	s11 =	smul.u32 $0x2710, s11;
	s14 =	sshrl.u32 s14, $0x3  }
0x10: {  	s17 =	sshrl.u32 @!p0 s17, $0x3;
	s12 =	sadd.s32 s13, s14;
	s13 =	sadd.s32 s13, s18  }
0x11: {  	s14 =	smax.u32 s15, $0x1;
	s18 =	sshll.u32 @!p0 s2, $0x6;
	s15 =	sshrl.u32 @p0 s16, $0x3  }
0x12: {  	s13 =	sadd.s32 $0x24900, s13;
	s16 =	sor.u32 @!p0 $0x1C02, s18;
	s18 =	simm.s32 $0x2  }
.LBB2_1:
0x13: {  	s24 =	simm.s32 @p0 $0x1FC2  }
0x14: {  	[spmem:s15], [sflag:s24] =	dma.local @p0 [hbm:s9], $0x2800  }
0x15: {  	s24 =	simm.s32 @p0 $0x2  }
0x16: {  	_ =	swait.ge @p0 [sflag:s24], $0x2800  }
0x17: {  	[sflag:s24] =	ssyncset.done @p0 $0x0  }
0x18: {  	[sflag:s24] =	ssyncadd.s32 @p0 $0xFFFFD800;
	s24 =	simm.s32 @!p0 $0x2  }
0x19: {  	[spmem:s17], [sflag:s16] =	dma.local @!p0 [hbm:s8], $0x2700  }
0x1a: {  	_ =	swait.ge @!p0 [sflag:s24], $0x2700  }
0x1b: {  	[sflag:s24] =	ssyncset.done @!p0 $0x0  }
0x1c: {  	[sflag:s24] =	ssyncadd.s32 @!p0 $0xFFFFD900  }
0x1d: {  	s24 =	simm.s32 $0x0;
	[bflag:$0x0] =	sbarrier.arrive $0xFFFF  }
.LBB2_2:
0x1e: {  	s25 =	sshll.u32 s24, $0xC  }
0x1f: {  	s25 =	sadd.s32 s10, s25  }
0x20: {  	s26 =	sshrl.u32 s25, $0x3  }
0x21: {  	s25 =	simm.s32 $0x0;
	s28 =	sadd.s32 s6, s26  }
0x22: {  	[tilespmem:s25], [sflag:$0x2] =	stream.linear.gather [hbm4b:s28+s25], $0xC80, $0x38;
	[tilespmem:$0x1A880] =	vst v63  }
0x23: {  	_ =	swait.ge [sflag:s18], $0xC80  }
0x24: {  	[sflag:s18] =	ssyncset.done $0x0  }
0x25: {  	s26 =	sadd.s32 s7, s26;
	[sflag:s18] =	ssyncadd.s32 $0xFFFFF380  }
0x26: {  	[tilespmem:s19], [sflag:$0x2] =	stream.linear.gather [hbm4b:s26+s25], $0xC80, $0x38;
	[tilespmem:$0x1A880] =	vst v63  }
0x27: {  	_ =	swait.ge [sflag:s18], $0xC80  }
0x28: {  	[sflag:s18] =	ssyncset.done $0x0  }
0x29: {  	s28 =	simm.s32 $0x0;
	s26 =	smul.u32 $0x19, s24;
	[sflag:s18] =	ssyncadd.s32 $0xFFFFF380  }
.LBB2_3:
0x2a: {  	_ = 	snop  }
0x2b: {  	s30 =	sadd.s32 s26, s28  }
0x2c: {  	s29 =	sshll.u32 s28, $0x7;
	s30 =	smul.u32 $0x50, s30  }
0x2d: {  	[tilespmem:s21], [sflag:$0x1] =	stream.indirect.gather [hbm4b:s1+s20], $0x80, s29, s20, $0xb8;
	[tilespmem:$0x1A880] =	vst v63  }
0x2e: {  	s30 =	sadd.s32 s11, s30  }
0x2f: {  	s30 =	sshll.u32 s30, $0x4  }
0x30: {  	s30 =	sadd.s32 s5, s30  }
0x31: {  	[tilespmem:s22], [sflag:$0x2] =	stream.linear.gather [hbm4b:s30+s25], $0x2800, $0x38;
	[tilespmem:$0x1A880] =	vst v63  }
0x32: {  	_ =	swait.ge [sflag:s18], $0x2800  }
0x33: {  	[sflag:s18] =	ssyncset.done $0x0  }
0x34: {  	[sflag:s18] =	ssyncadd.s32 $0xFFFFD800  }
0x35: {  	_ =	swait.ge [sflag:s23], $0x2800  }
0x36: {  	[sflag:s23] =	ssyncset.done $0x0  }
0x37: {  	s30 =	simm.s32 $0x0;
	[sflag:s23] =	ssyncadd.s32 $0xFFFFD800  }
0x38: {  	v6 =	vld [tilespmem:s30+$0x2000]  }
0x39: {  	v11 =	vld [tilespmem:s30+$0x2010]  }
0x3a: {  	v5 =	vld [tilespmem:s30+$0x2020]  }
0x3b: {  	v4 =	vld [tilespmem:s30+$0x2030]  }
0x3c: {  	v3 =	vld [tilespmem:s30+$0x2040]  }
0x3d: {  	v2 =	vld [tilespmem:s30+$0x2050]  }
0x3e: {  	v1 =	vld [tilespmem:s30+$0x2060]  }
0x3f: {  	v0 =	vld [tilespmem:s30+$0x2070]  }
0x40: {  	v12 =	vld [tilespmem:s30+$0x4800]  }
0x41: {  	v13 =	vld [tilespmem:s30+$0x4810]  }
0x42: {  	v10 =	vld [tilespmem:s30+$0x4820]  }
0x43: {  	v9 =	vld [tilespmem:s30+$0x4830]  }
0x44: {  	v8 =	vld [tilespmem:s30+$0x4840]  }
0x45: {  	v7 =	vld [tilespmem:s30+$0x4850];
	v12 =	vadd.f32 v6, v12  }
0x46: {  	s31 =	simm.s32 $0x200;
	v11 =	vadd.f32 v11, v13;
	v6 =	vld [tilespmem:s30+$0x4860]  }
.LBB2_4:
0x47: {  	s0 =	sshra.s32 s31, $0x2;
	p1 =	sne.s32 s31, $0x9E00;
	v12 =	vmax.f32 v12, $0.0e+00;
	v5 =	vadd.f32 v5, v10;
	v10 =	vld [tilespmem:s30+$0x4870]  }
0x48: {  	v13 =	vld [tilespmem:s0+$0x2000];
	[tilespmem:s30+$0x4800] =	vst v12;
	v11 =	vmax.f32 v11, $0.0e+00;
	v4 =	vadd.f32 v4, v9  }
0x49: {  	v14 =	vld [tilespmem:s0+$0x2010];
	[tilespmem:s30+$0x4810] =	vst v11;
	v9 =	vmax.f32 v5, $0.0e+00;
	v3 =	vadd.f32 v3, v8  }
0x4a: {  	v5 =	vld [tilespmem:s0+$0x2020];
	[tilespmem:s30+$0x4820] =	vst v9;
	v8 =	vmax.f32 v4, $0.0e+00;
	v2 =	vadd.f32 v2, v7  }
0x4b: {  	v4 =	vld [tilespmem:s0+$0x2030];
	[tilespmem:s30+$0x4830] =	vst v8;
	v7 =	vmax.f32 v3, $0.0e+00;
	v1 =	vadd.f32 v1, v6  }
0x4c: {  	v3 =	vld [tilespmem:s0+$0x2040];
	[tilespmem:s30+$0x4840] =	vst v7;
	v6 =	vmax.f32 v2, $0.0e+00;
	v0 =	vadd.f32 v0, v10  }
0x4d: {  	v2 =	vld [tilespmem:s0+$0x2050];
	[tilespmem:s30+$0x4850] =	vst v6;
	v6 =	vmax.f32 v1, $0.0e+00  }
0x4e: {  	v1 =	vld [tilespmem:s0+$0x2060];
	[tilespmem:s30+$0x4860] =	vst v6;
	v6 =	vmax.f32 v0, $0.0e+00  }
0x4f: {  	v0 =	vld [tilespmem:s0+$0x2070];
	[tilespmem:s30+$0x4870] =	vst v6;
	s30 =	smov.u32 s0  }
0x50: {  	v6 =	vld [tilespmem:s30+$0x4800]  }
0x51: {  	v11 =	vld [tilespmem:s30+$0x4810]  }
.Ltmp0:
0x52: {  	v10 =	vld [tilespmem:s30+$0x4820];
	(pc) =	sbr.rel @p1 .LBB2_4-.Ltmp0, $4  }
0x53: {  	v9 =	vld [tilespmem:s30+$0x4830]  }
0x54: {  	v8 =	vld [tilespmem:s30+$0x4840]  }
0x55: {  	v12 =	vadd.f32 v13, v6;
	v7 =	vld [tilespmem:s30+$0x4850]  }
0x56: {  	s31 =	sadd.s32 $0x200, s31;
	v11 =	vadd.f32 v14, v11;
	v6 =	vld [tilespmem:s30+$0x4860]  }
0x57: {  	v12 =	vmax.f32 v12, $0.0e+00;
	v5 =	vadd.f32 v5, v10;
	v63 =	vld [tilespmem:s30+$0x4870]  }
0x58: {  	[tilespmem:s30+$0x4800] =	vst v12;
	v11 =	vmax.f32 v11, $0.0e+00;
	v4 =	vadd.f32 v4, v9  }
0x59: {  	[tilespmem:s30+$0x4810] =	vst v11;
	v5 =	vmax.f32 v5, $0.0e+00;
	v3 =	vadd.f32 v3, v8  }
0x5a: {  	[tilespmem:s30+$0x4820] =	vst v5;
	v4 =	vmax.f32 v4, $0.0e+00;
	v2 =	vadd.f32 v2, v7  }
0x5b: {  	[tilespmem:s30+$0x4830] =	vst v4;
	v3 =	vmax.f32 v3, $0.0e+00;
	v1 =	vadd.f32 v1, v6  }
0x5c: {  	[tilespmem:s30+$0x4840] =	vst v3;
	v2 =	vmax.f32 v2, $0.0e+00;
	v0 =	vadd.f32 v0, v63  }
0x5d: {  	s28 =	sadd.s32 $0x1, s28;
	[tilespmem:s30+$0x4850] =	vst v2;
	v1 =	vmax.f32 v1, $0.0e+00  }
0x5e: {  	p1 =	sne.s32 s28, $0x19;
	[tilespmem:s30+$0x4860] =	vst v1;
	v0 =	vmax.f32 v0, $0.0e+00  }
.Ltmp1:
0x5f: {  	s0 =	sadd.s32 $0x1000, s29;
	[tilespmem:s30+$0x4870] =	vst v0;
	(pc) =	sbr.rel @p1 .LBB2_3-.Ltmp1, $4  }
0x60: {  	[spmem:s3] =	stream.indirect.scatter.add.f32 [tilespmem:s22], [sflag:$0x2], $0x80, s0, s20, $0xb8;
	[tilespmem:$0x1A880] =	vst v63  }
0x61: {  	_ =	swait.ge [sflag:s18], $0x2800  }
0x62: {  	[sflag:s18] =	ssyncset.done $0x0  }
0x63: {  	[sflag:s18] =	ssyncadd.s32 $0xFFFFD800  }
0x64: {  	s24 =	sadd.s32 $0x1, s24  }
0x65: {  	p1 =	sne.s32 s24, $0x5  }
.Ltmp2:
0x66: {  	_ = 	snop;
	(pc) =	sbr.rel @p1 .LBB2_2-.Ltmp2, $1  }
0x67: {  	_ =	sdelay $0x3  }
0x68: {  	[bflag:$0x0] =	sbarrier.arrive $0xFFFF;
	s0 =	simm.s32 @p0 $0x1FC2  }
0x69: {  	[hbm:s13], [sflag:s0] =	dma.local @p0 [spmem:s15], $0x2800  }
0x6a: {  	s0 =	simm.s32 @p0 $0x2  }
0x6b: {  	s4 =	sadd.s32 $0x1, s4;
	_ =	swait.ge @p0 [sflag:s0], $0x2800  }
0x6c: {  	p1 =	sne.s32 s4, s14;
	[sflag:s0] =	ssyncset.done @p0 $0x0  }
.Ltmp3:
0x6d: {  	[sflag:s0] =	ssyncadd.s32 @p0 $0xFFFFD800;
	s0 =	simm.s32 @!p0 $0x2;
	(pc) =	sbr.rel @p1 .LBB2_1-.Ltmp3, $4  }
0x6e: {  	[hbm:s12], [sflag:s16] =	dma.local @!p0 [spmem:s17], $0x2700  }
0x6f: {  	_ =	swait.ge @!p0 [sflag:s0], $0x2700  }
0x70: {  	[sflag:s0] =	ssyncset.done @!p0 $0x0  }
0x71: {  	[sflag:s0] =	ssyncadd.s32 @!p0 $0xFFFFD900  }
0x72: {  	_ =	sfence.sel $0x180000  }
0x73: {  	[bflag:$0x0] =	sbarrier.arrive $0xFFFF  }
0x74: {  	_ =	strace $0x90000047  }
0x75: {  	[bflag:$0x2] =	sbarrier.arrive $0xFFFF  }
0x76: {  	p0 =	sne.s32 s2, $0x0;
	s0 =	rddreg [dreg:$0x3]  }
0x77: {  	s0 =	sadd.s32 @!p0 $0x100000, s0  }
0x78: {  	[sflag:s0] =	ssyncadd.tile.s32 @!p0 $0x1;
	_ =	shalt  }
.Lfunc_end2:
_tile_overlayer_lowered:
.L_overlay_start_2:
0x79: {  	(tag) =	ssettag $0x2  }
0x7a: {  	s0 =	rddreg [dreg:$0x0];
	s2 =	stileid.u32  }
0x7b: {  	s1 =	rddreg [dreg:$0x1];
	p0 =	sne.s32 s2, $0x0  }
0x7c: {  	s3 =	rddreg [dreg:$0x2];
	[bflag:$0x3] =	sbarrier.arrive $0xFFFF;
	s2 =	simm.s32 @!p0 $0x1C02  }
0x7d: {  	[timem:s3], [sflag:s2] =	dma.local @!p0 [hbm:s0], s1  }
0x7e: {  	s0 =	simm.s32 @!p0 $0x2  }
0x7f: {  	_ =	swait.ge @!p0 [sflag:s0], s1  }
0x80: {  	s1 =	ssub.s32 @!p0 $0x0, s1;
	[sflag:s0] =	ssyncset.done @!p0 $0x0  }
0x81: {  	[sflag:s0] =	ssyncadd.s32 @!p0 s1  }
0x82: {  	[bflag:$0x3] =	sbarrier.arrive $0xFFFF  }
0x83: {  	_ =	shalt  }

// kernel: kernel.14.cloned.1.call-start
scs
__scs_entry_jumppad:
0x0: {  	(pc) =	sbr.rel $0x88, $3  }
0x1: {  	(tag) =	ssettag $0x0;
	lr =	simm.s32 $0x1  }
0x2: {  	[smem:$0x3F7F] =	sst lr;
	_ =	strace $0xD0000000  }
0x3: {  	_ = 	snop  }
0x4: {  	_ = 	snop  }
0x5: {  	_ = 	snop  }
0x6: {  	_ = 	snop  }
0x7: {  	_ = 	snop  }
__scs_overlays_trampoline_lowered:
0x8: {  	[smem:$0x3F8E] =	sst s0  }
0x9: {  	[smem:$0x3F8F] =	sst s1  }
0xa: {  	[smem:$0x3F90] =	sst s2  }
0xb: {  	[smem:$0x3F91] =	sst s3  }
0xc: {  	[smem:$0x3F92] =	sst s4  }
0xd: {  	[smem:$0x3F93] =	sst s5  }
0xe: {  	[smem:$0x3F94] =	sst s6  }
0xf: {  	[smem:$0x3F95] =	sst s7  }
0x10: {  	[smem:$0x3F96] =	sst s8  }
0x11: {  	[smem:$0x3F97] =	sst s9;
	s0 =	simm.s32 @!p0 $0x0  }
0x12: {  	s1 =	sld [smem:$0x3F7D];
	s0 =	simm.s32 @p0 $0x1  }
0x13: {  	[smem:$0x3F98] =	sst s0;
	s0 =	simm.s32 @!p1 $0x0  }
0x14: {  	s2 =	sld [smem:$0x3F7C];
	s0 =	simm.s32 @p1 $0x1  }
0x15: {  	[smem:$0x3F99] =	sst s0;
	s0 =	simm.s32 @!p2 $0x0  }
0x16: {  	s3 =	sld [smem:$0x3FDB];
	s0 =	simm.s32 @p2 $0x1  }
0x17: {  	s4 =	simm.s32 $0x1BF5;
	[smem:$0x3F9B] =	sst s0  }
0x18: {  	s0 =	sld [smem:$0x3F7E];
	_ =	swait.ge [sflag:s4], $0x0  }
0x19: {  	s7 =	sld [smem:$0x3F7F]  }
0x1a: {  	s8 =	sadd.s32 $0xFFFFE003, lr  }
0x1b: {  	s9 =	sadd.s32 $0xFFFFFEF7, lr;
	s5 =	simm.s32 $0xFFFFFFFF;
	p2 =	slt.u32 s8, $0xFFFFF086  }
0x1c: {  	p1 =	slt.u32 s9, $0xF7A;
	s5 =	simm.s32 @!p2 $0x0  }
0x1d: {  	s5 =	simm.s32 @p1 $0x1;
	p0 =	seq.s32 s7, s2  }
0x1e: {  	s7 =	smul.u32 @!p0 $0xF7A, s2;
	p2 =	seq.s32 @!p0 s5, $0x0  }
0x1f: {  	s9 =	smul.u32 $0xF7A, s1;
	s8 =	simm.s32 @!p0 $0x1BF5;
	p2 =	por !p2, p0  }
0x20: {  	[sflag:s8] =	ssyncset.s32 @!p0 $0xFFFFF086;
	s6 =	sadd.s32 @!p0 s3, s7;
	s7 =	simm.s32 @!p0 $0x108  }
0x21: {  	s3 =	sadd.s32 s3, s9;
	s6 =	sadd.s32 @!p0 $0x88, s6;
	s7 =	simm.s32 @p2 $0x1082  }
0x22: {  	[simem:s7], [sflag:s8] =	dma.local @!p0 [hbm:s6], $0xF7A  }
0x23: {  	s9 =	sor.u32 $0xD0000000, s2;
	s6 =	simm.s32 $0x108;
	_ =	swait.ge @!p0 [sflag:s8], $0x0  }
0x24: {  	s3 =	sadd.s32 $0x88, s3;
	s6 =	simm.s32 @!p1 $0x1082;
	[sflag:s4] =	ssyncset.s32 $0xFFFFF086  }
0x25: {  	[simem:s6], [sflag:s4] =	dma.local [hbm:s3], $0xF7A  }
0x26: {  	[smem:$0x3F7F] =	sst s1;
	(tag) =	ssettag s2;
	_ =	strace s9  }
0x27: {  	s1 =	sld [smem:$0x3F8F]  }
0x28: {  	s2 =	sld [smem:$0x3F90]  }
0x29: {  	s4 =	sld [smem:$0x3F92]  }
0x2a: {  	p0 =	seq.s32 s5, $0x0;
	s5 =	sld [smem:$0x3F93]  }
0x2b: {  	s6 =	sld [smem:$0x3F94]  }
0x2c: {  	s7 =	sld [smem:$0x3F95]  }
0x2d: {  	s3 =	simm.s32 $0x108;
	s8 =	sld [smem:$0x3F96]  }
0x2e: {  	s3 =	simm.s32 @!p0 $0x1082;
	s9 =	sld [smem:$0x3F97]  }
0x2f: {  	lr =	sadd.s32 s0, s3;
	s0 =	sld [smem:$0x3F8E]  }
0x30: {  	s3 =	sld [smem:$0x3F91]  }
0x31: {  	[smem:$0x3F9A] =	sst s10  }
0x32: {  	s10 =	sld [smem:$0x3F98];
	_ =	sdelay $0x3  }
0x33: {  	p0 =	seq.s32 s10, $0x1;
	s10 =	sld [smem:$0x3F9A];
	_ =	sdelay $0x3  }
0x34: {  	[smem:$0x3F9A] =	sst s10  }
0x35: {  	s10 =	sld [smem:$0x3F99];
	_ =	sdelay $0x3  }
0x36: {  	p1 =	seq.s32 s10, $0x1;
	s10 =	sld [smem:$0x3F9A];
	_ =	sdelay $0x3  }
0x37: {  	[smem:$0x3F9A] =	sst s10  }
0x38: {  	s10 =	sld [smem:$0x3F9B]  }
0x39: {  	_ = 	snop;
	(pc) =	sbr.ind lr, $3  }
0x3a: {  	_ = 	snop  }
0x3b: {  	_ = 	snop  }
0x3c: {  	p2 =	seq.s32 s10, $0x1;
	s10 =	sld [smem:$0x3F9A]  }
0x3d: {  	_ =	shalt  }
0x3e: {  	_ =	shalt  }
0x3f: {  	_ =	shalt  }
0x40: {  	_ =	shalt  }
0x41: {  	_ =	shalt  }
0x42: {  	_ =	shalt  }
0x43: {  	_ =	shalt  }
0x44: {  	_ =	shalt  }
0x45: {  	_ =	shalt  }
0x46: {  	_ =	shalt  }
0x47: {  	_ =	shalt  }
0x48: {  	_ =	shalt  }
0x49: {  	_ =	shalt  }
0x4a: {  	_ =	shalt  }
0x4b: {  	_ =	shalt  }
0x4c: {  	_ =	shalt  }
0x4d: {  	_ =	shalt  }
0x4e: {  	_ =	shalt  }
0x4f: {  	_ =	shalt  }
0x50: {  	_ =	shalt  }
0x51: {  	_ =	shalt  }
0x52: {  	_ =	shalt  }
0x53: {  	_ =	shalt  }
0x54: {  	_ =	shalt  }
0x55: {  	_ =	shalt  }
0x56: {  	_ =	shalt  }
0x57: {  	_ =	shalt  }
0x58: {  	_ =	shalt  }
0x59: {  	_ =	shalt  }
0x5a: {  	_ =	shalt  }
0x5b: {  	_ =	shalt  }
0x5c: {  	_ =	shalt  }
0x5d: {  	_ =	shalt  }
0x5e: {  	_ =	shalt  }
0x5f: {  	_ =	shalt  }
0x60: {  	_ =	shalt  }
0x61: {  	_ =	shalt  }
0x62: {  	_ =	shalt  }
0x63: {  	_ =	shalt  }
0x64: {  	_ =	shalt  }
0x65: {  	_ =	shalt  }
0x66: {  	_ =	shalt  }
0x67: {  	_ =	shalt  }
0x68: {  	_ =	shalt  }
0x69: {  	_ =	shalt  }
0x6a: {  	_ =	shalt  }
0x6b: {  	_ =	shalt  }
0x6c: {  	_ =	shalt  }
0x6d: {  	_ =	shalt  }
0x6e: {  	_ =	shalt  }
0x6f: {  	_ =	shalt  }
0x70: {  	_ =	shalt  }
0x71: {  	_ =	shalt  }
0x72: {  	_ =	shalt  }
0x73: {  	_ =	shalt  }
0x74: {  	_ =	shalt  }
0x75: {  	_ =	shalt  }
0x76: {  	_ =	shalt  }
0x77: {  	_ =	shalt  }
0x78: {  	_ =	shalt  }
0x79: {  	_ =	shalt  }
0x7a: {  	_ =	shalt  }
0x7b: {  	_ =	shalt  }
0x7c: {  	_ =	shalt  }
0x7d: {  	_ =	shalt  }
0x7e: {  	_ =	shalt  }
0x7f: {  	_ =	shalt  }
0x80: {  	_ =	shalt  }
0x81: {  	_ =	shalt  }
0x82: {  	_ =	shalt  }
0x83: {  	_ =	shalt  }
0x84: {  	_ =	shalt  }
0x85: {  	_ =	shalt  }
0x86: {  	_ =	shalt  }
0x87: {  	_ =	shalt  }
.Lfunc_end0:
.L_simem_size_0:
called_computation.1_lowered:
.L_overlay_start_0:
0x88: {  	s2 =	sld [smem:$0x3FD9]  }
0x89: {  	s3 =	sld [smem:$0x3FFE];
	_ =	sdelay $0x1  }
0x8a: {  	s1 =	srdreg.scid  }
0x8b: {  	s0 =	sand.u32 $0x1, s1  }
0x8c: {  	s16 =	sshll.u32 s0, $0xA;
	s2 =	sadd.s32 s3, s2  }
0x8d: {  	s2 =	sadd.s32 s2, s16  }
0x8e: {  	[smem:$0x3FA6] =	sst s2  }
0x8f: {  	_ = 	snop  }
0x90: {  	(tm) =	ssettm $0x1  }
0x91: {  	s17 =	sld [smem:$0x3FFB];
	_ =	sdelay $0x3  }
0x92: {  	_ =	strace s17  }
0x93: {  	s2 =	sld [smem:$0x3FFC];
	_ =	sdelay $0x3  }
0x94: {  	_ =	strace s2  }
0x95: {  	s2 =	sld [smem:$0x3FFD];
	_ =	sdelay $0x3  }
0x96: {  	_ =	strace s2  }
0x97: {  	_ =	strace $0x8FFFFFFF  }
0x98: {  	s18 =	sld [smem:$0x3FDB];
	_ =	sdelay $0x1  }
0x99: {  	s19 =	simm.s32 $_scs_section_size  }
0x9a: {  	s4 =	simm.s32 $_size__tile_overlayer_lowered;
	s5 =	simm.s32 $_tile_overlayer_lowered  }
0x9b: {  	s22 =	simm.s32 $0x1BFF;
	s21 =	sshll.u32 s5, $0x1;
	s2 =	sadd.s32 s19, s18  }
0x9c: {  	s6 =	simm.s32 $0x0;
	s20 =	sshll.u32 s4, $0x1;
	s4 =	sadd.s32 s21, s2  }
0x9d: {  	[timem:s6], [sflag:s22] =	dma.local [hbm:s4], s20  }
0x9e: {  	_ =	swait.ge [sflag:s22], s20  }
0x9f: {  	s3 =	ssub.s32 $0x0, s20;
	[sflag:s22] =	ssyncset.done $0x0  }
0xa0: {  	[sflag:s22] =	ssyncadd.s32 s3;
	_ =	sdelay $0x1  }
0xa1: {  	s23 =	simm.s32 $0x1B8B  }
0xa2: {  	_ =	swait.ge [sflag:s23], $0x1  }
0xa3: {  	[sflag:s23] =	ssyncset.done $0x0  }
0xa4: {  	s25 =	simm.s32 $0x1B8E;
	s24 =	sld [smem:$0x3FFE];
	[sflag:s23] =	ssyncadd.s32 $0xFFFFFFFF  }
0xa5: {  	s26 =	simm.s32 $execute0_lowered;
	[smem:$0x3FD2] =	sst s25  }
0xa6: {  	s4 =	sshll.u32 s26, $0x1;
	_ =	strace $0x80000049;
	[dreg:$0x1] =	wrdreg $0xFFFFFFFF  }
0xa7: {  	s28 =	simm.s32 $_size_execute0_lowered;
	s2 =	sadd.s32 s2, s4;
	[dreg:$0x0] =	wrdreg $0x0  }
0xa8: {  	s4 =	sshll.u32 s28, $0x1;
	[dreg:$0x2] =	wrdreg s2  }
0xa9: {  	[dreg:$0x3] =	wrdreg s4  }
0xaa: {  	[dreg:$0x4] =	wrdreg $0xC0  }
0xab: {  	_ =	task [dreg:s6], $0x5FFFF  }
0xac: {  	[dreg:$0x1] =	wrdreg $0xFFFFFFFF  }
0xad: {  	[dreg:$0x0] =	wrdreg $0x60  }
0xae: {  	[dreg:$0x2] =	wrdreg s24  }
0xaf: {  	[dreg:$0x3] =	wrdreg $0x70000  }
0xb0: {  	[dreg:$0x4] =	wrdreg $0x9  }
0xb1: {  	_ =	task.clear_ibuf [dreg:s6], $0x5FFFF;
	_ =	strace $0x90000049  }
0xb2: {  	s29 =	simm.s32 $0x9;
	_ =	strace $0x8000004B  }
0xb3: {  	_ =	swait.ge [sflag:s29], $0x1  }
0xb4: {  	[sflag:s29] =	ssyncadd.s32 $0xFFFFFFFF  }
0xb5: {  	_ =	strace $0x9000004B  }
0xb6: {  	_ =	sfence  }
0xb7: {  	s30 =	sld [smem:$0x0];
	_ =	sdelay $0x2  }
0xb8: {  	s31 =	sshll.u32 s1, $0xD;
	s1 =	sshrl.u32 s1, $0x2  }
0xb9: {  	s3 =	sand.u32 $0x4000, s31;
	s1 =	sadd.s32 s1, s30  }
0xba: {  	s0 =	sor.u32 s3, s0;
	s1 =	sshll.u32 s1, $0x11  }
0xbb: {  	s0 =	sor.u32 s1, s0  }
0xbc: {  	s0 =	sadd.s32 $0x8F2B, s0  }
0xbd: {  	[sflag:s0] =	ssyncadd.remote.s32 $0x1  }
0xbe: {  	_ =	sfence.sel $0xFFFF  }
0xbf: {  	[dreg:$0x0] =	wrdreg $0xFFFFFFFF;
	(pc) =	sbr.abs _section_cstart, $3  }
0xc0: {  	[dreg:$0x1] =	wrdreg $0xFFFFFFFF  }
0xc1: {  	_ =	task.clear_ibuf [dreg:s6], $0x2FFFF;
	_ =	strace $0x9FFFFFFF  }
0xc2: {  	(tm) =	ssettm $0x7FFFFFFF  }
0xc3: {  	_ =	shalt  }
tec
execute0_lowered:
.L_overlay_start_1:
0x0: {  	(tag) =	ssettag $0x1  }
0x1: {  	s9 =	rddreg [dreg:$0x0]  }
0x2: {  	s1 =	rddreg [dreg:$0x1];
	s3 =	simm.s32 $0x0  }
0x3: {  	s2 =	stileid.u32;
	s7 =	srdreg.scid;
	s19 =	simm.s32 $0x1000  }
0x4: {  	s20 =	simm.s32 $0x50;
	s21 =	simm.s32 $0x2000;
	s22 =	simm.s32 $0x4800  }
0x5: {  	s23 =	simm.s32 $0x1;
	[smem:$0x7FF] =	sst s3;
	s4 =	sadd.s32 $0xA19800, s9  }
0x6: {  	s8 =	smul.u32 $0x2700, s2;
	s5 =	sadd.s32 $0xA68000, s9;
	s6 =	sadd.s32 $0x6600, s9  }
0x7: {  	s10 =	sand.u32 $0x1, s7;
	s7 =	sadd.s32 $0x1A600, s9;
	s13 =	sadd.s32 $0x510600, s9  }
0x8: {  	s14 =	smul.u32 $0x4E000, s2;
	s28 =	sshll.u32 s2, $0x1;
	s16 =	sadd.s32 $0x124800, s1  }
0x9: {  	s31 =	smul.u32 $0x13800, s2;
	p0 =	seq.s32 s2, $0xF;
	_ =	strace $0x8000004A  }
0xa: {  	s11 =	ssub.s32 $0x2, s10;
	s29 =	smul.u32 $0x138800, s10;
	s8 =	sadd.s32 s8, s9  }
0xb: {  	s12 =	sshrl.u32 s11, $0x1;
	s30 =	sshrl.u32 s14, $0x2;
	s9 =	sadd.s32 $0xA16F00, s9  }
0xc: {  	s15 =	ssub.s32 s11, s12;
	s11 =	sor.u32 s10, s28;
	s17 =	sadd.s32 s30, s1  }
0xd: {  	s8 =	sadd.s32 $0x9F2600, s8;
	s14 =	sadd.s32 s31, s29;
	s10 =	smul.u32 $0x5000, s11  }
0xe: {  	s18 =	sshrl.u32 s29, $0x3;
	s11 =	smul.u32 $0x2710, s11;
	s14 =	sshrl.u32 s14, $0x3  }
0xf: {  	s17 =	sshrl.u32 @!p0 s17, $0x3;
	s12 =	sadd.s32 s13, s14;
	s13 =	sadd.s32 s13, s18  }
0x10: {  	s14 =	smax.u32 s15, $0x1;
	s18 =	sshll.u32 @!p0 s2, $0x6;
	s15 =	sshrl.u32 @p0 s16, $0x3  }
0x11: {  	s13 =	sadd.s32 $0x24900, s13;
	s16 =	sor.u32 @!p0 $0x1C02, s18;
	s18 =	simm.s32 $0x2  }
.LBB2_1:
0x12: {  	s24 =	simm.s32 @p0 $0x1FC2  }
0x13: {  	[spmem:s15], [sflag:s24] =	dma.local @p0 [hbm:s9], $0x2800  }
0x14: {  	s24 =	simm.s32 @p0 $0x2  }
0x15: {  	_ =	swait.ge @p0 [sflag:s24], $0x2800  }
0x16: {  	[sflag:s24] =	ssyncset.done @p0 $0x0  }
0x17: {  	[sflag:s24] =	ssyncadd.s32 @p0 $0xFFFFD800;
	s24 =	simm.s32 @!p0 $0x2  }
0x18: {  	[spmem:s17], [sflag:s16] =	dma.local @!p0 [hbm:s8], $0x2700  }
0x19: {  	_ =	swait.ge @!p0 [sflag:s24], $0x2700  }
0x1a: {  	[sflag:s24] =	ssyncset.done @!p0 $0x0  }
0x1b: {  	[sflag:s24] =	ssyncadd.s32 @!p0 $0xFFFFD900  }
0x1c: {  	s24 =	simm.s32 $0x0;
	[bflag:$0x0] =	sbarrier.arrive $0xFFFF  }
.LBB2_2:
0x1d: {  	s25 =	sshll.u32 s24, $0xC  }
0x1e: {  	s25 =	sadd.s32 s10, s25  }
0x1f: {  	s26 =	sshrl.u32 s25, $0x3  }
0x20: {  	s25 =	simm.s32 $0x0;
	s28 =	sadd.s32 s6, s26  }
0x21: {  	[tilespmem:s25], [sflag:$0x2] =	stream.linear.gather [hbm4b:s28+s25], $0xC80, $0x38;
	[tilespmem:$0x1A880] =	vst v63  }
0x22: {  	_ =	swait.ge [sflag:s18], $0xC80  }
0x23: {  	[sflag:s18] =	ssyncset.done $0x0  }
0x24: {  	s26 =	sadd.s32 s7, s26;
	[sflag:s18] =	ssyncadd.s32 $0xFFFFF380  }
0x25: {  	[tilespmem:s19], [sflag:$0x2] =	stream.linear.gather [hbm4b:s26+s25], $0xC80, $0x38;
	[tilespmem:$0x1A880] =	vst v63  }
0x26: {  	_ =	swait.ge [sflag:s18], $0xC80  }
0x27: {  	[sflag:s18] =	ssyncset.done $0x0  }
0x28: {  	s28 =	simm.s32 $0x0;
	s26 =	smul.u32 $0x19, s24;
	[sflag:s18] =	ssyncadd.s32 $0xFFFFF380  }
.LBB2_3:
0x29: {  	_ = 	snop  }
0x2a: {  	s30 =	sadd.s32 s26, s28  }
0x2b: {  	s29 =	sshll.u32 s28, $0x7;
	s30 =	smul.u32 $0x50, s30  }
0x2c: {  	[tilespmem:s21], [sflag:$0x1] =	stream.indirect.gather [hbm4b:s4+s20], $0x80, s29, s20, $0xb8;
	[tilespmem:$0x1A880] =	vst v63  }
0x2d: {  	s30 =	sadd.s32 s11, s30  }
0x2e: {  	s30 =	sshll.u32 s30, $0x4  }
0x2f: {  	s30 =	sadd.s32 s5, s30  }
0x30: {  	[tilespmem:s22], [sflag:$0x2] =	stream.linear.gather [hbm4b:s30+s25], $0x2800, $0x38;
	[tilespmem:$0x1A880] =	vst v63  }
0x31: {  	_ =	swait.ge [sflag:s18], $0x2800  }
0x32: {  	[sflag:s18] =	ssyncset.done $0x0  }
0x33: {  	[sflag:s18] =	ssyncadd.s32 $0xFFFFD800  }
0x34: {  	_ =	swait.ge [sflag:s23], $0x2800  }
0x35: {  	[sflag:s23] =	ssyncset.done $0x0  }
0x36: {  	s30 =	simm.s32 $0x0;
	[sflag:s23] =	ssyncadd.s32 $0xFFFFD800  }
0x37: {  	v6 =	vld [tilespmem:s30+$0x2000]  }
0x38: {  	v11 =	vld [tilespmem:s30+$0x2010]  }
0x39: {  	v5 =	vld [tilespmem:s30+$0x2020]  }
0x3a: {  	v4 =	vld [tilespmem:s30+$0x2030]  }
0x3b: {  	v3 =	vld [tilespmem:s30+$0x2040]  }
0x3c: {  	v2 =	vld [tilespmem:s30+$0x2050]  }
0x3d: {  	v1 =	vld [tilespmem:s30+$0x2060]  }
0x3e: {  	v0 =	vld [tilespmem:s30+$0x2070]  }
0x3f: {  	v12 =	vld [tilespmem:s30+$0x4800]  }
0x40: {  	v13 =	vld [tilespmem:s30+$0x4810]  }
0x41: {  	v10 =	vld [tilespmem:s30+$0x4820]  }
0x42: {  	v9 =	vld [tilespmem:s30+$0x4830]  }
0x43: {  	v8 =	vld [tilespmem:s30+$0x4840]  }
0x44: {  	v7 =	vld [tilespmem:s30+$0x4850];
	v12 =	vadd.f32 v6, v12  }
0x45: {  	s31 =	simm.s32 $0x200;
	v11 =	vadd.f32 v11, v13;
	v6 =	vld [tilespmem:s30+$0x4860]  }
.LBB2_4:
0x46: {  	s0 =	sshra.s32 s31, $0x2;
	p1 =	sne.s32 s31, $0x9E00;
	v12 =	vmax.f32 v12, $0.0e+00;
	v5 =	vadd.f32 v5, v10;
	v10 =	vld [tilespmem:s30+$0x4870]  }
0x47: {  	v13 =	vld [tilespmem:s0+$0x2000];
	[tilespmem:s30+$0x4800] =	vst v12;
	v11 =	vmax.f32 v11, $0.0e+00;
	v4 =	vadd.f32 v4, v9  }
0x48: {  	v14 =	vld [tilespmem:s0+$0x2010];
	[tilespmem:s30+$0x4810] =	vst v11;
	v9 =	vmax.f32 v5, $0.0e+00;
	v3 =	vadd.f32 v3, v8  }
0x49: {  	v5 =	vld [tilespmem:s0+$0x2020];
	[tilespmem:s30+$0x4820] =	vst v9;
	v8 =	vmax.f32 v4, $0.0e+00;
	v2 =	vadd.f32 v2, v7  }
0x4a: {  	v4 =	vld [tilespmem:s0+$0x2030];
	[tilespmem:s30+$0x4830] =	vst v8;
	v7 =	vmax.f32 v3, $0.0e+00;
	v1 =	vadd.f32 v1, v6  }
0x4b: {  	v3 =	vld [tilespmem:s0+$0x2040];
	[tilespmem:s30+$0x4840] =	vst v7;
	v6 =	vmax.f32 v2, $0.0e+00;
	v0 =	vadd.f32 v0, v10  }
0x4c: {  	v2 =	vld [tilespmem:s0+$0x2050];
	[tilespmem:s30+$0x4850] =	vst v6;
	v6 =	vmax.f32 v1, $0.0e+00  }
0x4d: {  	v1 =	vld [tilespmem:s0+$0x2060];
	[tilespmem:s30+$0x4860] =	vst v6;
	v6 =	vmax.f32 v0, $0.0e+00  }
0x4e: {  	v0 =	vld [tilespmem:s0+$0x2070];
	[tilespmem:s30+$0x4870] =	vst v6;
	s30 =	smov.u32 s0  }
0x4f: {  	v6 =	vld [tilespmem:s30+$0x4800]  }
0x50: {  	v11 =	vld [tilespmem:s30+$0x4810]  }
.Ltmp0:
0x51: {  	v10 =	vld [tilespmem:s30+$0x4820];
	(pc) =	sbr.rel @p1 .LBB2_4-.Ltmp0, $4  }
0x52: {  	v9 =	vld [tilespmem:s30+$0x4830]  }
0x53: {  	v8 =	vld [tilespmem:s30+$0x4840]  }
0x54: {  	v12 =	vadd.f32 v13, v6;
	v7 =	vld [tilespmem:s30+$0x4850]  }
0x55: {  	s31 =	sadd.s32 $0x200, s31;
	v11 =	vadd.f32 v14, v11;
	v6 =	vld [tilespmem:s30+$0x4860]  }
0x56: {  	v12 =	vmax.f32 v12, $0.0e+00;
	v5 =	vadd.f32 v5, v10;
	v63 =	vld [tilespmem:s30+$0x4870]  }
0x57: {  	[tilespmem:s30+$0x4800] =	vst v12;
	v11 =	vmax.f32 v11, $0.0e+00;
	v4 =	vadd.f32 v4, v9  }
0x58: {  	[tilespmem:s30+$0x4810] =	vst v11;
	v5 =	vmax.f32 v5, $0.0e+00;
	v3 =	vadd.f32 v3, v8  }
0x59: {  	[tilespmem:s30+$0x4820] =	vst v5;
	v4 =	vmax.f32 v4, $0.0e+00;
	v2 =	vadd.f32 v2, v7  }
0x5a: {  	[tilespmem:s30+$0x4830] =	vst v4;
	v3 =	vmax.f32 v3, $0.0e+00;
	v1 =	vadd.f32 v1, v6  }
0x5b: {  	[tilespmem:s30+$0x4840] =	vst v3;
	v2 =	vmax.f32 v2, $0.0e+00;
	v0 =	vadd.f32 v0, v63  }
0x5c: {  	s28 =	sadd.s32 $0x1, s28;
	[tilespmem:s30+$0x4850] =	vst v2;
	v1 =	vmax.f32 v1, $0.0e+00  }
0x5d: {  	p1 =	sne.s32 s28, $0x19;
	[tilespmem:s30+$0x4860] =	vst v1;
	v0 =	vmax.f32 v0, $0.0e+00  }
.Ltmp1:
0x5e: {  	s0 =	sadd.s32 $0x1000, s29;
	[tilespmem:s30+$0x4870] =	vst v0;
	(pc) =	sbr.rel @p1 .LBB2_3-.Ltmp1, $4  }
0x5f: {  	[spmem:s1] =	stream.indirect.scatter.add.f32 [tilespmem:s22], [sflag:$0x2], $0x80, s0, s20, $0xb8;
	[tilespmem:$0x1A880] =	vst v63  }
0x60: {  	_ =	swait.ge [sflag:s18], $0x2800  }
0x61: {  	[sflag:s18] =	ssyncset.done $0x0  }
0x62: {  	[sflag:s18] =	ssyncadd.s32 $0xFFFFD800  }
0x63: {  	s24 =	sadd.s32 $0x1, s24  }
0x64: {  	p1 =	sne.s32 s24, $0x5  }
.Ltmp2:
0x65: {  	_ = 	snop;
	(pc) =	sbr.rel @p1 .LBB2_2-.Ltmp2, $1  }
0x66: {  	_ =	sdelay $0x3  }
0x67: {  	[bflag:$0x0] =	sbarrier.arrive $0xFFFF;
	s0 =	simm.s32 @p0 $0x1FC2  }
0x68: {  	[hbm:s13], [sflag:s0] =	dma.local @p0 [spmem:s15], $0x2800  }
0x69: {  	s0 =	simm.s32 @p0 $0x2  }
0x6a: {  	s3 =	sadd.s32 $0x1, s3;
	_ =	swait.ge @p0 [sflag:s0], $0x2800  }
0x6b: {  	p1 =	sne.s32 s3, s14;
	[sflag:s0] =	ssyncset.done @p0 $0x0  }
.Ltmp3:
0x6c: {  	[sflag:s0] =	ssyncadd.s32 @p0 $0xFFFFD800;
	s0 =	simm.s32 @!p0 $0x2;
	(pc) =	sbr.rel @p1 .LBB2_1-.Ltmp3, $4  }
0x6d: {  	[hbm:s12], [sflag:s16] =	dma.local @!p0 [spmem:s17], $0x2700  }
0x6e: {  	_ =	swait.ge @!p0 [sflag:s0], $0x2700  }
0x6f: {  	[sflag:s0] =	ssyncset.done @!p0 $0x0  }
0x70: {  	[sflag:s0] =	ssyncadd.s32 @!p0 $0xFFFFD900  }
0x71: {  	_ =	sfence.sel $0x180000  }
0x72: {  	[bflag:$0x0] =	sbarrier.arrive $0xFFFF  }
0x73: {  	_ =	strace $0x9000004A  }
0x74: {  	[bflag:$0x2] =	sbarrier.arrive $0xFFFF  }
0x75: {  	p0 =	sne.s32 s2, $0x0;
	s0 =	rddreg [dreg:$0x2]  }
0x76: {  	s0 =	sadd.s32 @!p0 $0x100000, s0  }
0x77: {  	[sflag:s0] =	ssyncadd.tile.s32 @!p0 $0x1;
	_ =	shalt  }
.Lfunc_end2:
_tile_overlayer_lowered:
.L_overlay_start_2:
0x78: {  	(tag) =	ssettag $0x2  }
0x79: {  	s0 =	rddreg [dreg:$0x0];
	s2 =	stileid.u32  }
0x7a: {  	s1 =	rddreg [dreg:$0x1];
	p0 =	sne.s32 s2, $0x0  }
0x7b: {  	s3 =	rddreg [dreg:$0x2];
	[bflag:$0x3] =	sbarrier.arrive $0xFFFF;
	s2 =	simm.s32 @!p0 $0x1C02  }
0x7c: {  	[timem:s3], [sflag:s2] =	dma.local @!p0 [hbm:s0], s1  }
0x7d: {  	s0 =	simm.s32 @!p0 $0x2  }
0x7e: {  	_ =	swait.ge @!p0 [sflag:s0], s1  }
0x7f: {  	s1 =	ssub.s32 @!p0 $0x0, s1;
	[sflag:s0] =	ssyncset.done @!p0 $0x0  }
0x80: {  	[sflag:s0] =	ssyncadd.s32 @!p0 s1  }
0x81: {  	[bflag:$0x3] =	sbarrier.arrive $0xFFFF  }
0x82: {  	_ =	shalt  }

// kernel: kernel.17.cloned.1.call-start
scs
__scs_entry_jumppad:
0x0: {  	(pc) =	sbr.rel $0x88, $3  }
0x1: {  	(tag) =	ssettag $0x0;
	lr =	simm.s32 $0x1  }
0x2: {  	[smem:$0x3F7F] =	sst lr;
	_ =	strace $0xD0000000  }
0x3: {  	_ = 	snop  }
0x4: {  	_ = 	snop  }
0x5: {  	_ = 	snop  }
0x6: {  	_ = 	snop  }
0x7: {  	_ = 	snop  }
__scs_overlays_trampoline_lowered:
0x8: {  	[smem:$0x3F8E] =	sst s0  }
0x9: {  	[smem:$0x3F8F] =	sst s1  }
0xa: {  	[smem:$0x3F90] =	sst s2  }
0xb: {  	[smem:$0x3F91] =	sst s3  }
0xc: {  	[smem:$0x3F92] =	sst s4  }
0xd: {  	[smem:$0x3F93] =	sst s5  }
0xe: {  	[smem:$0x3F94] =	sst s6  }
0xf: {  	[smem:$0x3F95] =	sst s7  }
0x10: {  	[smem:$0x3F96] =	sst s8  }
0x11: {  	[smem:$0x3F97] =	sst s9;
	s0 =	simm.s32 @!p0 $0x0  }
0x12: {  	s1 =	sld [smem:$0x3F7D];
	s0 =	simm.s32 @p0 $0x1  }
0x13: {  	[smem:$0x3F98] =	sst s0;
	s0 =	simm.s32 @!p1 $0x0  }
0x14: {  	s2 =	sld [smem:$0x3F7C];
	s0 =	simm.s32 @p1 $0x1  }
0x15: {  	[smem:$0x3F99] =	sst s0;
	s0 =	simm.s32 @!p2 $0x0  }
0x16: {  	s3 =	sld [smem:$0x3FDB];
	s0 =	simm.s32 @p2 $0x1  }
0x17: {  	s4 =	simm.s32 $0x1BF5;
	[smem:$0x3F9B] =	sst s0  }
0x18: {  	s0 =	sld [smem:$0x3F7E];
	_ =	swait.ge [sflag:s4], $0x0  }
0x19: {  	s7 =	sld [smem:$0x3F7F]  }
0x1a: {  	s8 =	sadd.s32 $0xFFFFE003, lr  }
0x1b: {  	s9 =	sadd.s32 $0xFFFFFEF7, lr;
	s5 =	simm.s32 $0xFFFFFFFF;
	p2 =	slt.u32 s8, $0xFFFFF086  }
0x1c: {  	p1 =	slt.u32 s9, $0xF7A;
	s5 =	simm.s32 @!p2 $0x0  }
0x1d: {  	s5 =	simm.s32 @p1 $0x1;
	p0 =	seq.s32 s7, s2  }
0x1e: {  	s7 =	smul.u32 @!p0 $0xF7A, s2;
	p2 =	seq.s32 @!p0 s5, $0x0  }
0x1f: {  	s9 =	smul.u32 $0xF7A, s1;
	s8 =	simm.s32 @!p0 $0x1BF5;
	p2 =	por !p2, p0  }
0x20: {  	[sflag:s8] =	ssyncset.s32 @!p0 $0xFFFFF086;
	s6 =	sadd.s32 @!p0 s3, s7;
	s7 =	simm.s32 @!p0 $0x108  }
0x21: {  	s3 =	sadd.s32 s3, s9;
	s6 =	sadd.s32 @!p0 $0x88, s6;
	s7 =	simm.s32 @p2 $0x1082  }
0x22: {  	[simem:s7], [sflag:s8] =	dma.local @!p0 [hbm:s6], $0xF7A  }
0x23: {  	s9 =	sor.u32 $0xD0000000, s2;
	s6 =	simm.s32 $0x108;
	_ =	swait.ge @!p0 [sflag:s8], $0x0  }
0x24: {  	s3 =	sadd.s32 $0x88, s3;
	s6 =	simm.s32 @!p1 $0x1082;
	[sflag:s4] =	ssyncset.s32 $0xFFFFF086  }
0x25: {  	[simem:s6], [sflag:s4] =	dma.local [hbm:s3], $0xF7A  }
0x26: {  	[smem:$0x3F7F] =	sst s1;
	(tag) =	ssettag s2;
	_ =	strace s9  }
0x27: {  	s1 =	sld [smem:$0x3F8F]  }
0x28: {  	s2 =	sld [smem:$0x3F90]  }
0x29: {  	s4 =	sld [smem:$0x3F92]  }
0x2a: {  	p0 =	seq.s32 s5, $0x0;
	s5 =	sld [smem:$0x3F93]  }
0x2b: {  	s6 =	sld [smem:$0x3F94]  }
0x2c: {  	s7 =	sld [smem:$0x3F95]  }
0x2d: {  	s3 =	simm.s32 $0x108;
	s8 =	sld [smem:$0x3F96]  }
0x2e: {  	s3 =	simm.s32 @!p0 $0x1082;
	s9 =	sld [smem:$0x3F97]  }
0x2f: {  	lr =	sadd.s32 s0, s3;
	s0 =	sld [smem:$0x3F8E]  }
0x30: {  	s3 =	sld [smem:$0x3F91]  }
0x31: {  	[smem:$0x3F9A] =	sst s10  }
0x32: {  	s10 =	sld [smem:$0x3F98];
	_ =	sdelay $0x3  }
0x33: {  	p0 =	seq.s32 s10, $0x1;
	s10 =	sld [smem:$0x3F9A];
	_ =	sdelay $0x3  }
0x34: {  	[smem:$0x3F9A] =	sst s10  }
0x35: {  	s10 =	sld [smem:$0x3F99];
	_ =	sdelay $0x3  }
0x36: {  	p1 =	seq.s32 s10, $0x1;
	s10 =	sld [smem:$0x3F9A];
	_ =	sdelay $0x3  }
0x37: {  	[smem:$0x3F9A] =	sst s10  }
0x38: {  	s10 =	sld [smem:$0x3F9B]  }
0x39: {  	_ = 	snop;
	(pc) =	sbr.ind lr, $3  }
0x3a: {  	_ = 	snop  }
0x3b: {  	_ = 	snop  }
0x3c: {  	p2 =	seq.s32 s10, $0x1;
	s10 =	sld [smem:$0x3F9A]  }
0x3d: {  	_ =	shalt  }
0x3e: {  	_ =	shalt  }
0x3f: {  	_ =	shalt  }
0x40: {  	_ =	shalt  }
0x41: {  	_ =	shalt  }
0x42: {  	_ =	shalt  }
0x43: {  	_ =	shalt  }
0x44: {  	_ =	shalt  }
0x45: {  	_ =	shalt  }
0x46: {  	_ =	shalt  }
0x47: {  	_ =	shalt  }
0x48: {  	_ =	shalt  }
0x49: {  	_ =	shalt  }
0x4a: {  	_ =	shalt  }
0x4b: {  	_ =	shalt  }
0x4c: {  	_ =	shalt  }
0x4d: {  	_ =	shalt  }
0x4e: {  	_ =	shalt  }
0x4f: {  	_ =	shalt  }
0x50: {  	_ =	shalt  }
0x51: {  	_ =	shalt  }
0x52: {  	_ =	shalt  }
0x53: {  	_ =	shalt  }
0x54: {  	_ =	shalt  }
0x55: {  	_ =	shalt  }
0x56: {  	_ =	shalt  }
0x57: {  	_ =	shalt  }
0x58: {  	_ =	shalt  }
0x59: {  	_ =	shalt  }
0x5a: {  	_ =	shalt  }
0x5b: {  	_ =	shalt  }
0x5c: {  	_ =	shalt  }
0x5d: {  	_ =	shalt  }
0x5e: {  	_ =	shalt  }
0x5f: {  	_ =	shalt  }
0x60: {  	_ =	shalt  }
0x61: {  	_ =	shalt  }
0x62: {  	_ =	shalt  }
0x63: {  	_ =	shalt  }
0x64: {  	_ =	shalt  }
0x65: {  	_ =	shalt  }
0x66: {  	_ =	shalt  }
0x67: {  	_ =	shalt  }
0x68: {  	_ =	shalt  }
0x69: {  	_ =	shalt  }
0x6a: {  	_ =	shalt  }
0x6b: {  	_ =	shalt  }
0x6c: {  	_ =	shalt  }
0x6d: {  	_ =	shalt  }
0x6e: {  	_ =	shalt  }
0x6f: {  	_ =	shalt  }
0x70: {  	_ =	shalt  }
0x71: {  	_ =	shalt  }
0x72: {  	_ =	shalt  }
0x73: {  	_ =	shalt  }
0x74: {  	_ =	shalt  }
0x75: {  	_ =	shalt  }
0x76: {  	_ =	shalt  }
0x77: {  	_ =	shalt  }
0x78: {  	_ =	shalt  }
0x79: {  	_ =	shalt  }
0x7a: {  	_ =	shalt  }
0x7b: {  	_ =	shalt  }
0x7c: {  	_ =	shalt  }
0x7d: {  	_ =	shalt  }
0x7e: {  	_ =	shalt  }
0x7f: {  	_ =	shalt  }
0x80: {  	_ =	shalt  }
0x81: {  	_ =	shalt  }
0x82: {  	_ =	shalt  }
0x83: {  	_ =	shalt  }
0x84: {  	_ =	shalt  }
0x85: {  	_ =	shalt  }
0x86: {  	_ =	shalt  }
0x87: {  	_ =	shalt  }
.Lfunc_end0:
.L_simem_size_0:
called_computation.2_lowered:
.L_overlay_start_0:
0x88: {  	s2 =	sld [smem:$0x3FD9]  }
0x89: {  	s3 =	sld [smem:$0x3FFE];
	_ =	sdelay $0x1  }
0x8a: {  	s1 =	srdreg.scid  }
0x8b: {  	s0 =	sand.u32 $0x1, s1  }
0x8c: {  	s16 =	sshll.u32 s0, $0xA;
	s2 =	sadd.s32 s3, s2  }
0x8d: {  	s2 =	sadd.s32 s2, s16  }
0x8e: {  	[smem:$0x3FA6] =	sst s2  }
0x8f: {  	_ = 	snop  }
0x90: {  	(tm) =	ssettm $0x1  }
0x91: {  	s17 =	sld [smem:$0x3FFB];
	_ =	sdelay $0x3  }
0x92: {  	_ =	strace s17  }
0x93: {  	s2 =	sld [smem:$0x3FFC];
	_ =	sdelay $0x3  }
0x94: {  	_ =	strace s2  }
0x95: {  	s2 =	sld [smem:$0x3FFD];
	_ =	sdelay $0x3  }
0x96: {  	_ =	strace s2  }
0x97: {  	_ =	strace $0x8FFFFFFF  }
0x98: {  	s18 =	sld [smem:$0x3FDB];
	_ =	sdelay $0x1  }
0x99: {  	s19 =	simm.s32 $_scs_section_size  }
0x9a: {  	s4 =	simm.s32 $_size__tile_overlayer_lowered;
	s5 =	simm.s32 $_tile_overlayer_lowered  }
0x9b: {  	s22 =	simm.s32 $0x1BFF;
	s21 =	sshll.u32 s5, $0x1;
	s2 =	sadd.s32 s19, s18  }
0x9c: {  	s6 =	simm.s32 $0x0;
	s20 =	sshll.u32 s4, $0x1;
	s4 =	sadd.s32 s21, s2  }
0x9d: {  	[timem:s6], [sflag:s22] =	dma.local [hbm:s4], s20  }
0x9e: {  	_ =	swait.ge [sflag:s22], s20  }
0x9f: {  	s3 =	ssub.s32 $0x0, s20;
	[sflag:s22] =	ssyncset.done $0x0  }
0xa0: {  	[sflag:s22] =	ssyncadd.s32 s3;
	_ =	sdelay $0x1  }
0xa1: {  	s23 =	simm.s32 $0x1B8B  }
0xa2: {  	_ =	swait.ge [sflag:s23], $0x1  }
0xa3: {  	[sflag:s23] =	ssyncset.done $0x0  }
0xa4: {  	s25 =	simm.s32 $0x1B8E;
	s24 =	sld [smem:$0x3FFE];
	[sflag:s23] =	ssyncadd.s32 $0xFFFFFFFF  }
0xa5: {  	s26 =	simm.s32 $execute0_lowered;
	[smem:$0x3FD2] =	sst s25  }
0xa6: {  	s4 =	sshll.u32 s26, $0x1;
	_ =	strace $0x8000004C;
	[dreg:$0x1] =	wrdreg $0xFFFFFFFF  }
0xa7: {  	s28 =	simm.s32 $_size_execute0_lowered;
	s2 =	sadd.s32 s2, s4;
	[dreg:$0x0] =	wrdreg $0x0  }
0xa8: {  	s4 =	sshll.u32 s28, $0x1;
	[dreg:$0x2] =	wrdreg s2  }
0xa9: {  	[dreg:$0x3] =	wrdreg s4  }
0xaa: {  	[dreg:$0x4] =	wrdreg $0xC0  }
0xab: {  	_ =	task [dreg:s6], $0x5FFFF  }
0xac: {  	[dreg:$0x1] =	wrdreg $0xFFFFFFFF  }
0xad: {  	[dreg:$0x0] =	wrdreg $0x60  }
0xae: {  	[dreg:$0x2] =	wrdreg s24  }
0xaf: {  	[dreg:$0x3] =	wrdreg $0x70000  }
0xb0: {  	[dreg:$0x4] =	wrdreg $0x9  }
0xb1: {  	_ =	task.clear_ibuf [dreg:s6], $0x5FFFF;
	_ =	strace $0x9000004C  }
0xb2: {  	s29 =	simm.s32 $0x9;
	_ =	strace $0x8000004E  }
0xb3: {  	_ =	swait.ge [sflag:s29], $0x1  }
0xb4: {  	[sflag:s29] =	ssyncadd.s32 $0xFFFFFFFF  }
0xb5: {  	_ =	strace $0x9000004E  }
0xb6: {  	_ =	sfence  }
0xb7: {  	s30 =	sld [smem:$0x0];
	_ =	sdelay $0x2  }
0xb8: {  	s31 =	sshll.u32 s1, $0xD;
	s1 =	sshrl.u32 s1, $0x2  }
0xb9: {  	s3 =	sand.u32 $0x4000, s31;
	s1 =	sadd.s32 s1, s30  }
0xba: {  	s0 =	sor.u32 s3, s0;
	s1 =	sshll.u32 s1, $0x11  }
0xbb: {  	s0 =	sor.u32 s1, s0  }
0xbc: {  	s0 =	sadd.s32 $0x8F2B, s0  }
0xbd: {  	[sflag:s0] =	ssyncadd.remote.s32 $0x1  }
0xbe: {  	_ =	sfence.sel $0xFFFF  }
0xbf: {  	[dreg:$0x0] =	wrdreg $0xFFFFFFFF;
	(pc) =	sbr.abs _section_cstart, $3  }
0xc0: {  	[dreg:$0x1] =	wrdreg $0xFFFFFFFF  }
0xc1: {  	_ =	task.clear_ibuf [dreg:s6], $0x2FFFF;
	_ =	strace $0x9FFFFFFF  }
0xc2: {  	(tm) =	ssettm $0x7FFFFFFF  }
0xc3: {  	_ =	shalt  }
tec
execute0_lowered:
.L_overlay_start_1:
0x0: {  	(tag) =	ssettag $0x1  }
0x1: {  	s9 =	rddreg [dreg:$0x0]  }
0x2: {  	s1 =	rddreg [dreg:$0x1];
	s3 =	simm.s32 $0x0  }
0x3: {  	s2 =	stileid.u32;
	s7 =	srdreg.scid;
	s19 =	simm.s32 $0x1000  }
0x4: {  	s20 =	simm.s32 $0x50;
	s21 =	simm.s32 $0x2000;
	s22 =	simm.s32 $0x4800  }
0x5: {  	s23 =	simm.s32 $0x1;
	[smem:$0x7FF] =	sst s3;
	s4 =	sadd.s32 $0xA19800, s9  }
0x6: {  	s8 =	smul.u32 $0x2700, s2;
	s5 =	sadd.s32 $0xF4A000, s9;
	s6 =	sadd.s32 $0x6600, s9  }
0x7: {  	s10 =	sand.u32 $0x1, s7;
	s7 =	sadd.s32 $0x1A600, s9;
	s13 =	sadd.s32 $0xA68000, s9  }
0x8: {  	s14 =	smul.u32 $0x4E000, s2;
	s28 =	sshll.u32 s2, $0x1;
	s16 =	sadd.s32 $0x124800, s1  }
0x9: {  	s31 =	smul.u32 $0x13800, s2;
	p0 =	seq.s32 s2, $0xF;
	_ =	strace $0x8000004D  }
0xa: {  	s11 =	ssub.s32 $0x2, s10;
	s29 =	smul.u32 $0x138800, s10;
	s8 =	sadd.s32 s8, s9  }
0xb: {  	s12 =	sshrl.u32 s11, $0x1;
	s30 =	sshrl.u32 s14, $0x2;
	s9 =	sadd.s32 $0xA16F00, s9  }
0xc: {  	s15 =	ssub.s32 s11, s12;
	s11 =	sor.u32 s10, s28;
	s17 =	sadd.s32 s30, s1  }
0xd: {  	s8 =	sadd.s32 $0x9F2600, s8;
	s14 =	sadd.s32 s31, s29;
	s10 =	smul.u32 $0x5000, s11  }
0xe: {  	s18 =	sshrl.u32 s29, $0x3;
	s11 =	smul.u32 $0x2710, s11;
	s14 =	sshrl.u32 s14, $0x3  }
0xf: {  	s17 =	sshrl.u32 @!p0 s17, $0x3;
	s12 =	sadd.s32 s13, s14;
	s13 =	sadd.s32 s13, s18  }
0x10: {  	s14 =	smax.u32 s15, $0x1;
	s18 =	sshll.u32 @!p0 s2, $0x6;
	s15 =	sshrl.u32 @p0 s16, $0x3  }
0x11: {  	s13 =	sadd.s32 $0x24900, s13;
	s16 =	sor.u32 @!p0 $0x1C02, s18;
	s18 =	simm.s32 $0x2  }
.LBB2_1:
0x12: {  	s24 =	simm.s32 @p0 $0x1FC2  }
0x13: {  	[spmem:s15], [sflag:s24] =	dma.local @p0 [hbm:s9], $0x2800  }
0x14: {  	s24 =	simm.s32 @p0 $0x2  }
0x15: {  	_ =	swait.ge @p0 [sflag:s24], $0x2800  }
0x16: {  	[sflag:s24] =	ssyncset.done @p0 $0x0  }
0x17: {  	[sflag:s24] =	ssyncadd.s32 @p0 $0xFFFFD800;
	s24 =	simm.s32 @!p0 $0x2  }
0x18: {  	[spmem:s17], [sflag:s16] =	dma.local @!p0 [hbm:s8], $0x2700  }
0x19: {  	_ =	swait.ge @!p0 [sflag:s24], $0x2700  }
0x1a: {  	[sflag:s24] =	ssyncset.done @!p0 $0x0  }
0x1b: {  	[sflag:s24] =	ssyncadd.s32 @!p0 $0xFFFFD900  }
0x1c: {  	s24 =	simm.s32 $0x0;
	[bflag:$0x0] =	sbarrier.arrive $0xFFFF  }
.LBB2_2:
0x1d: {  	s25 =	sshll.u32 s24, $0xC  }
0x1e: {  	s25 =	sadd.s32 s10, s25  }
0x1f: {  	s26 =	sshrl.u32 s25, $0x3  }
0x20: {  	s25 =	simm.s32 $0x0;
	s28 =	sadd.s32 s6, s26  }
0x21: {  	[tilespmem:s25], [sflag:$0x2] =	stream.linear.gather [hbm4b:s28+s25], $0xC80, $0x38;
	[tilespmem:$0x1A880] =	vst v63  }
0x22: {  	_ =	swait.ge [sflag:s18], $0xC80  }
0x23: {  	[sflag:s18] =	ssyncset.done $0x0  }
0x24: {  	s26 =	sadd.s32 s7, s26;
	[sflag:s18] =	ssyncadd.s32 $0xFFFFF380  }
0x25: {  	[tilespmem:s19], [sflag:$0x2] =	stream.linear.gather [hbm4b:s26+s25], $0xC80, $0x38;
	[tilespmem:$0x1A880] =	vst v63  }
0x26: {  	_ =	swait.ge [sflag:s18], $0xC80  }
0x27: {  	[sflag:s18] =	ssyncset.done $0x0  }
0x28: {  	s28 =	simm.s32 $0x0;
	s26 =	smul.u32 $0x19, s24;
	[sflag:s18] =	ssyncadd.s32 $0xFFFFF380  }
.LBB2_3:
0x29: {  	_ = 	snop  }
0x2a: {  	s30 =	sadd.s32 s26, s28  }
0x2b: {  	s29 =	sshll.u32 s28, $0x7;
	s30 =	smul.u32 $0x50, s30  }
0x2c: {  	[tilespmem:s21], [sflag:$0x1] =	stream.indirect.gather [hbm4b:s4+s20], $0x80, s29, s20, $0xb8;
	[tilespmem:$0x1A880] =	vst v63  }
0x2d: {  	s30 =	sadd.s32 s11, s30  }
0x2e: {  	s30 =	sshll.u32 s30, $0x4  }
0x2f: {  	s30 =	sadd.s32 s5, s30  }
0x30: {  	[tilespmem:s22], [sflag:$0x2] =	stream.linear.gather [hbm4b:s30+s25], $0x2800, $0x38;
	[tilespmem:$0x1A880] =	vst v63  }
0x31: {  	_ =	swait.ge [sflag:s18], $0x2800  }
0x32: {  	[sflag:s18] =	ssyncset.done $0x0  }
0x33: {  	[sflag:s18] =	ssyncadd.s32 $0xFFFFD800  }
0x34: {  	_ =	swait.ge [sflag:s23], $0x2800  }
0x35: {  	[sflag:s23] =	ssyncset.done $0x0  }
0x36: {  	s30 =	simm.s32 $0x0;
	[sflag:s23] =	ssyncadd.s32 $0xFFFFD800  }
0x37: {  	v6 =	vld [tilespmem:s30+$0x2000]  }
0x38: {  	v11 =	vld [tilespmem:s30+$0x2010]  }
0x39: {  	v5 =	vld [tilespmem:s30+$0x2020]  }
0x3a: {  	v4 =	vld [tilespmem:s30+$0x2030]  }
0x3b: {  	v3 =	vld [tilespmem:s30+$0x2040]  }
0x3c: {  	v2 =	vld [tilespmem:s30+$0x2050]  }
0x3d: {  	v1 =	vld [tilespmem:s30+$0x2060]  }
0x3e: {  	v0 =	vld [tilespmem:s30+$0x2070]  }
0x3f: {  	v12 =	vld [tilespmem:s30+$0x4800]  }
0x40: {  	v13 =	vld [tilespmem:s30+$0x4810]  }
0x41: {  	v10 =	vld [tilespmem:s30+$0x4820]  }
0x42: {  	v9 =	vld [tilespmem:s30+$0x4830]  }
0x43: {  	v8 =	vld [tilespmem:s30+$0x4840]  }
0x44: {  	v7 =	vld [tilespmem:s30+$0x4850];
	v12 =	vadd.f32 v6, v12  }
0x45: {  	s31 =	simm.s32 $0x200;
	v11 =	vadd.f32 v11, v13;
	v6 =	vld [tilespmem:s30+$0x4860]  }
.LBB2_4:
0x46: {  	s0 =	sshra.s32 s31, $0x2;
	p1 =	sne.s32 s31, $0x9E00;
	v12 =	vmax.f32 v12, $0.0e+00;
	v5 =	vadd.f32 v5, v10;
	v10 =	vld [tilespmem:s30+$0x4870]  }
0x47: {  	v13 =	vld [tilespmem:s0+$0x2000];
	[tilespmem:s30+$0x4800] =	vst v12;
	v11 =	vmax.f32 v11, $0.0e+00;
	v4 =	vadd.f32 v4, v9  }
0x48: {  	v14 =	vld [tilespmem:s0+$0x2010];
	[tilespmem:s30+$0x4810] =	vst v11;
	v9 =	vmax.f32 v5, $0.0e+00;
	v3 =	vadd.f32 v3, v8  }
0x49: {  	v5 =	vld [tilespmem:s0+$0x2020];
	[tilespmem:s30+$0x4820] =	vst v9;
	v8 =	vmax.f32 v4, $0.0e+00;
	v2 =	vadd.f32 v2, v7  }
0x4a: {  	v4 =	vld [tilespmem:s0+$0x2030];
	[tilespmem:s30+$0x4830] =	vst v8;
	v7 =	vmax.f32 v3, $0.0e+00;
	v1 =	vadd.f32 v1, v6  }
0x4b: {  	v3 =	vld [tilespmem:s0+$0x2040];
	[tilespmem:s30+$0x4840] =	vst v7;
	v6 =	vmax.f32 v2, $0.0e+00;
	v0 =	vadd.f32 v0, v10  }
0x4c: {  	v2 =	vld [tilespmem:s0+$0x2050];
	[tilespmem:s30+$0x4850] =	vst v6;
	v6 =	vmax.f32 v1, $0.0e+00  }
0x4d: {  	v1 =	vld [tilespmem:s0+$0x2060];
	[tilespmem:s30+$0x4860] =	vst v6;
	v6 =	vmax.f32 v0, $0.0e+00  }
0x4e: {  	v0 =	vld [tilespmem:s0+$0x2070];
	[tilespmem:s30+$0x4870] =	vst v6;
	s30 =	smov.u32 s0  }
0x4f: {  	v6 =	vld [tilespmem:s30+$0x4800]  }
0x50: {  	v11 =	vld [tilespmem:s30+$0x4810]  }
.Ltmp0:
0x51: {  	v10 =	vld [tilespmem:s30+$0x4820];
	(pc) =	sbr.rel @p1 .LBB2_4-.Ltmp0, $4  }
0x52: {  	v9 =	vld [tilespmem:s30+$0x4830]  }
0x53: {  	v8 =	vld [tilespmem:s30+$0x4840]  }
0x54: {  	v12 =	vadd.f32 v13, v6;
	v7 =	vld [tilespmem:s30+$0x4850]  }
0x55: {  	s31 =	sadd.s32 $0x200, s31;
	v11 =	vadd.f32 v14, v11;
	v6 =	vld [tilespmem:s30+$0x4860]  }
0x56: {  	v12 =	vmax.f32 v12, $0.0e+00;
	v5 =	vadd.f32 v5, v10;
	v63 =	vld [tilespmem:s30+$0x4870]  }
0x57: {  	[tilespmem:s30+$0x4800] =	vst v12;
	v11 =	vmax.f32 v11, $0.0e+00;
	v4 =	vadd.f32 v4, v9  }
0x58: {  	[tilespmem:s30+$0x4810] =	vst v11;
	v5 =	vmax.f32 v5, $0.0e+00;
	v3 =	vadd.f32 v3, v8  }
0x59: {  	[tilespmem:s30+$0x4820] =	vst v5;
	v4 =	vmax.f32 v4, $0.0e+00;
	v2 =	vadd.f32 v2, v7  }
0x5a: {  	[tilespmem:s30+$0x4830] =	vst v4;
	v3 =	vmax.f32 v3, $0.0e+00;
	v1 =	vadd.f32 v1, v6  }
0x5b: {  	[tilespmem:s30+$0x4840] =	vst v3;
	v2 =	vmax.f32 v2, $0.0e+00;
	v0 =	vadd.f32 v0, v63  }
0x5c: {  	s28 =	sadd.s32 $0x1, s28;
	[tilespmem:s30+$0x4850] =	vst v2;
	v1 =	vmax.f32 v1, $0.0e+00  }
0x5d: {  	p1 =	sne.s32 s28, $0x19;
	[tilespmem:s30+$0x4860] =	vst v1;
	v0 =	vmax.f32 v0, $0.0e+00  }
.Ltmp1:
0x5e: {  	s0 =	sadd.s32 $0x1000, s29;
	[tilespmem:s30+$0x4870] =	vst v0;
	(pc) =	sbr.rel @p1 .LBB2_3-.Ltmp1, $4  }
0x5f: {  	[spmem:s1] =	stream.indirect.scatter.add.f32 [tilespmem:s22], [sflag:$0x2], $0x80, s0, s20, $0xb8;
	[tilespmem:$0x1A880] =	vst v63  }
0x60: {  	_ =	swait.ge [sflag:s18], $0x2800  }
0x61: {  	[sflag:s18] =	ssyncset.done $0x0  }
0x62: {  	[sflag:s18] =	ssyncadd.s32 $0xFFFFD800  }
0x63: {  	s24 =	sadd.s32 $0x1, s24  }
0x64: {  	p1 =	sne.s32 s24, $0x5  }
.Ltmp2:
0x65: {  	_ = 	snop;
	(pc) =	sbr.rel @p1 .LBB2_2-.Ltmp2, $1  }
0x66: {  	_ =	sdelay $0x3  }
0x67: {  	[bflag:$0x0] =	sbarrier.arrive $0xFFFF;
	s0 =	simm.s32 @p0 $0x1FC2  }
0x68: {  	[hbm:s13], [sflag:s0] =	dma.local @p0 [spmem:s15], $0x2800  }
0x69: {  	s0 =	simm.s32 @p0 $0x2  }
0x6a: {  	s3 =	sadd.s32 $0x1, s3;
	_ =	swait.ge @p0 [sflag:s0], $0x2800  }
0x6b: {  	p1 =	sne.s32 s3, s14;
	[sflag:s0] =	ssyncset.done @p0 $0x0  }
.Ltmp3:
0x6c: {  	[sflag:s0] =	ssyncadd.s32 @p0 $0xFFFFD800;
	s0 =	simm.s32 @!p0 $0x2;
	(pc) =	sbr.rel @p1 .LBB2_1-.Ltmp3, $4  }
0x6d: {  	[hbm:s12], [sflag:s16] =	dma.local @!p0 [spmem:s17], $0x2700  }
0x6e: {  	_ =	swait.ge @!p0 [sflag:s0], $0x2700  }
0x6f: {  	[sflag:s0] =	ssyncset.done @!p0 $0x0  }
0x70: {  	[sflag:s0] =	ssyncadd.s32 @!p0 $0xFFFFD900  }
0x71: {  	_ =	sfence.sel $0x180000  }
0x72: {  	[bflag:$0x0] =	sbarrier.arrive $0xFFFF  }
0x73: {  	_ =	strace $0x9000004D  }
0x74: {  	[bflag:$0x2] =	sbarrier.arrive $0xFFFF  }
0x75: {  	p0 =	sne.s32 s2, $0x0;
	s0 =	rddreg [dreg:$0x2]  }
0x76: {  	s0 =	sadd.s32 @!p0 $0x100000, s0  }
0x77: {  	[sflag:s0] =	ssyncadd.tile.s32 @!p0 $0x1;
	_ =	shalt  }
.Lfunc_end2:
_tile_overlayer_lowered:
.L_overlay_start_2:
0x78: {  	(tag) =	ssettag $0x2  }
0x79: {  	s0 =	rddreg [dreg:$0x0];
	s2 =	stileid.u32  }
0x7a: {  	s1 =	rddreg [dreg:$0x1];
	p0 =	sne.s32 s2, $0x0  }
0x7b: {  	s3 =	rddreg [dreg:$0x2];
	[bflag:$0x3] =	sbarrier.arrive $0xFFFF;
	s2 =	simm.s32 @!p0 $0x1C02  }
0x7c: {  	[timem:s3], [sflag:s2] =	dma.local @!p0 [hbm:s0], s1  }
0x7d: {  	s0 =	simm.s32 @!p0 $0x2  }
0x7e: {  	_ =	swait.ge @!p0 [sflag:s0], s1  }
0x7f: {  	s1 =	ssub.s32 @!p0 $0x0, s1;
	[sflag:s0] =	ssyncset.done @!p0 $0x0  }
0x80: {  	[sflag:s0] =	ssyncadd.s32 @!p0 s1  }
0x81: {  	[bflag:$0x3] =	sbarrier.arrive $0xFFFF  }
0x82: {  	_ =	shalt  }

</sc_bundles>
